<compile_context>
chip_gen: v7x
topology: tpu7x:2x2x1
jax: 0.10.2.dev20260603
libtpu: 0.0.44.dev20260713+nightly
codegen_flags: <defaults>
</compile_context>

<pallas_src>
import functools

import jax
import jax.numpy as jnp
from jax import lax
from jax.experimental import pallas as pl
from jax.experimental.pallas import tpu as pltpu
from jax.experimental.pallas import tpu_sc as plsc

N = 10000
E = 320000
D = 128
NS = 16
NC = 2
CH = 40
EPT = E // (NC * NS)
NCH = EPT // CH
RPT = N // NS
XRT = 632
INV_BN = float((1.0 + 1e-5) ** -0.5)
EPS = 1e-6

_f32 = jnp.float32


def _sigmoid16(x):
    return 1.0 / (1.0 + jnp.exp(-x))


def _zero_acc(buf, acc, base8):
    def zrow(r, carry):
        for g in range(D // 16):
            buf[r, pl.ds(g * 16, 16)] = jnp.zeros((16,), _f32)
        return carry
    lax.fori_loop(0, CH, zrow, 0)
    for q in range(XRT // CH):
        pltpu.sync_copy(buf, acc.at[pl.ds(base8 + q * CH, CH)])
    rem = XRT - (XRT // CH) * CH
    pltpu.sync_copy(buf.at[pl.ds(0, rem)],
                    acc.at[pl.ds(base8 + (XRT // CH) * CH, rem)])


def _copy_idx(src_ref, dst_ref):
    for off in (0, 16, CH - 16):
        s = pl.ds(off, 16)
        dst_ref[s] = src_ref[s]


@functools.partial(jax.jit, static_argnames=("has_b3",))
def _sc_hat_sig(src, dst, b1, b2, b3e, *, has_b3):
    out_type = (
        jax.ShapeDtypeStruct((E, D), _f32),
        jax.ShapeDtypeStruct((NC, N, D), _f32),
    )
    scratch = (
        [pltpu.VMEM((CH,), jnp.int32)] * 6
        + [pltpu.VMEM((CH, D), _f32)] * 8
        + [pltpu.VMEM_SHARED((N, D), _f32)]
        + [pltpu.SemaphoreType.DMA] * 6
    )

    def body(*refs):
        it = iter(refs)
        src_h = next(it); dst_h = next(it); b1_h = next(it); b2_h = next(it)
        b3e_h = next(it) if has_b3 else None
        hat_h = next(it); acc_h = next(it)
        srcv = [next(it) for _ in range(2)]
        dstv = [next(it) for _ in range(2)]
        dsts = [next(it) for _ in range(2)]
        g1 = [next(it) for _ in range(2)]
        g2 = [next(it) for _ in range(2)]
        hb = [next(it) for _ in range(2)]
        sg = [next(it) for _ in range(2)]
        acc = next(it)
        semg = [next(it) for _ in range(2)]
        semw = [next(it) for _ in range(2)]
        semi = [next(it) for _ in range(2)]

        cid = lax.axis_index("c")
        sid = lax.axis_index("s")
        base8 = (sid * RPT) // 8 * 8
        tbase = (cid * NS + sid) * EPT

        _zero_acc(g1[0], acc, base8)
        plsc.subcore_barrier()

        def start_idx(c, b):
            base = tbase + c * CH
            pltpu.async_copy(src_h.at[pl.ds(base, CH)], srcv[b], semi[b])
            pltpu.async_copy(dst_h.at[pl.ds(base, CH)], dstv[b], semi[b])

        def wait_idx(c, b):
            base = tbase + c * CH
            pltpu.make_async_copy(src_h.at[pl.ds(base, CH)], srcv[b],
                                  semi[b]).wait()
            pltpu.make_async_copy(dst_h.at[pl.ds(base, CH)], dstv[b],
                                  semi[b]).wait()

        def issue(c, b):
            base = tbase + c * CH
            pltpu.async_copy(b1_h.at[srcv[b]], g1[b], semg[b])
            pltpu.async_copy(b2_h.at[dstv[b]], g2[b], semg[b])
            if has_b3:
                pltpu.async_copy(b3e_h.at[pl.ds(base, CH)], hb[b], semg[b])

        start_idx(0, 0)
        wait_idx(0, 0)
        issue(0, 0)

        def outer(cc, carry):
            for b in (0, 1):
                ob = 1 - b
                c = cc * 2 + b
                @pl.when(c + 1 < NCH)
                def _():
                    start_idx(c + 1, ob)
                @pl.when(c >= 1)
                def _():
                    pltpu.make_async_copy(
                        hb[ob], hat_h.at[pl.ds(tbase + (c - 1) * CH, CH)],
                        semw[ob]).wait()
                pltpu.make_async_copy(
                    b1_h.at[srcv[b]], g1[b], semg[b]).wait()
                pltpu.make_async_copy(
                    b2_h.at[dstv[b]], g2[b], semg[b]).wait()
                if has_b3:
                    pltpu.make_async_copy(
                        b3e_h.at[pl.ds(tbase + c * CH, CH)], hb[b],
                        semg[b]).wait()
                @pl.when(c + 1 < NCH)
                def _():
                    wait_idx(c + 1, ob)
                    issue(c + 1, ob)
                def row(r, rc):
                    for g in range(D // 16):
                        s = pl.ds(g * 16, 16)
                        x = g1[b][r, s] + g2[b][r, s]
                        if has_b3:
                            x = x + hb[b][r, s]
                        hb[b][r, s] = x
                        sg[b][r, s] = _sigmoid16(x)
                    return rc
                lax.fori_loop(0, CH, row, 0)
                pltpu.async_copy(
                    hb[b], hat_h.at[pl.ds(tbase + c * CH, CH)], semw[b])
                pltpu.sync_copy(sg[b], acc.at[dstv[b]], add=True)
            return carry
        lax.fori_loop(0, NCH // 2, outer, 0)

        pltpu.make_async_copy(
            hb[1], hat_h.at[pl.ds(tbase + (NCH - 1) * CH, CH)], semw[1]).wait()

        plsc.subcore_barrier()
        pltpu.sync_copy(acc.at[pl.ds(base8, XRT)],
                        acc_h.at[cid, pl.ds(base8, XRT)])

    mesh = plsc.VectorSubcoreMesh(core_axis_name="c", subcore_axis_name="s",
                                  num_cores=NC, num_subcores=NS)
    f = pl.kernel(body, out_type=out_type, mesh=mesh,
                  scratch_types=tuple(scratch))
    args = [src, dst, b1, b2] + ([b3e] if has_b3 else [])
    return f(*args)


@jax.jit
def _sc_weighted(src, dst, hat, table):
    out_type = jax.ShapeDtypeStruct((NC, N, D), _f32)
    scratch = (
        [pltpu.VMEM((CH,), jnp.int32)] * 6
        + [pltpu.VMEM((CH, D), _f32)] * 6
        + [pltpu.VMEM_SHARED((N, D), _f32)]
        + [pltpu.SemaphoreType.DMA] * 4
    )

    def body(*refs):
        it = iter(refs)
        src_h = next(it); dst_h = next(it); hat_h = next(it); tab_h = next(it)
        acc_h = next(it)
        srcv = [next(it) for _ in range(2)]
        dstv = [next(it) for _ in range(2)]
        dsts = [next(it) for _ in range(2)]
        gt = [next(it) for _ in range(2)]
        hw = [next(it) for _ in range(2)]
        wo = [next(it) for _ in range(2)]
        acc = next(it)
        semg = [next(it) for _ in range(2)]
        semi = [next(it) for _ in range(2)]

        cid = lax.axis_index("c")
        sid = lax.axis_index("s")
        base8 = (sid * RPT) // 8 * 8
        tbase = (cid * NS + sid) * EPT

        _zero_acc(gt[0], acc, base8)
        plsc.subcore_barrier()

        def start_idx(c, b):
            base = tbase + c * CH
            pltpu.async_copy(src_h.at[pl.ds(base, CH)], srcv[b], semi[b])
            pltpu.async_copy(dst_h.at[pl.ds(base, CH)], dstv[b], semi[b])

        def wait_idx(c, b):
            base = tbase + c * CH
            pltpu.make_async_copy(src_h.at[pl.ds(base, CH)], srcv[b],
                                  semi[b]).wait()
            pltpu.make_async_copy(dst_h.at[pl.ds(base, CH)], dstv[b],
                                  semi[b]).wait()

        def issue(c, b):
            base = tbase + c * CH
            pltpu.async_copy(tab_h.at[srcv[b]], gt[b], semg[b])
            pltpu.async_copy(hat_h.at[pl.ds(base, CH)], hw[b], semg[b])

        start_idx(0, 0)
        wait_idx(0, 0)
        issue(0, 0)

        def outer(cc, carry):
            for b in (0, 1):
                ob = 1 - b
                c = cc * 2 + b
                @pl.when(c + 1 < NCH)
                def _():
                    start_idx(c + 1, ob)
                pltpu.make_async_copy(tab_h.at[srcv[b]], gt[b], semg[b]).wait()
                pltpu.make_async_copy(
                    hat_h.at[pl.ds(tbase + c * CH, CH)], hw[b], semg[b]).wait()
                @pl.when(c + 1 < NCH)
                def _():
                    wait_idx(c + 1, ob)
                    issue(c + 1, ob)
                def row(r, rc):
                    for g in range(D // 16):
                        s = pl.ds(g * 16, 16)
                        wo[b][r, s] = _sigmoid16(hw[b][r, s]) * gt[b][r, s]
                    return rc
                lax.fori_loop(0, CH, row, 0)
                pltpu.sync_copy(wo[b], acc.at[dstv[b]], add=True)
            return carry
        lax.fori_loop(0, NCH // 2, outer, 0)

        plsc.subcore_barrier()
        pltpu.sync_copy(acc.at[pl.ds(base8, XRT)],
                        acc_h.at[cid, pl.ds(base8, XRT)])

    mesh = plsc.VectorSubcoreMesh(core_axis_name="c", subcore_axis_name="s",
                                  num_cores=NC, num_subcores=NS)
    f = pl.kernel(body, out_type=out_type, mesh=mesh,
                  scratch_types=tuple(scratch))
    return f(src, dst, hat, table)


_BN_NODE = 1000
_BN_EDGE = 2000


def _dot(x, w):
    return lax.dot(x, w, preferred_element_type=_f32)


def _prep(h, p, wts, need_p):
    ws, bs = wts
    n_w, n_b = len(ws), len(bs)
    n_out = 6 if need_p else 4

    def body(*refs):
        it = iter(refs)
        h_ref = next(it); p_ref = next(it)
        w = [next(it) for _ in range(n_w)]
        b = [next(it) for _ in range(n_b)]
        outs = [next(it) for _ in range(n_out)]

        hf = h_ref[...]
        pf = p_ref[...]
        outs[0][...] = _dot(hf, w[0][...]) + b[0][...]
        outs[1][...] = _dot(hf, w[1][...]) + b[1][...]
        outs[2][...] = _dot(hf, w[2][...]) + _dot(pf, w[3][...]) + b[2][...]
        outs[3][...] = _dot(hf, w[4][...]) + _dot(pf, w[5][...]) + b[3][...]
        if need_p:
            outs[4][...] = _dot(pf, w[6][...]) + b[4][...]
            outs[5][...] = _dot(pf, w[7][...]) + b[5][...]

    grid = (N // _BN_NODE,)
    full = lambda shp: pl.BlockSpec(shp, lambda i: (0,) * len(shp))
    row_blk = pl.BlockSpec((_BN_NODE, D), lambda i: (i, 0))
    in_specs = [row_blk, row_blk] + [full((D, D))] * n_w + [full((1, D))] * n_b
    return pl.pallas_call(
        body, grid=grid, in_specs=in_specs,
        out_specs=[row_blk] * n_out,
        out_shape=[jax.ShapeDtypeStruct((N, D), _f32)] * n_out,
    )(h, p, *ws, *bs)


def _edge_linear(hat, w, b):
    def body(hat_ref, w_ref, b_ref, out_ref):
        e = jnp.maximum(hat_ref[...] * INV_BN, 0.0)
        out_ref[...] = _dot(e, w_ref[...]) + b_ref[...]

    grid = (E // _BN_EDGE,)
    return pl.pallas_call(
        body, grid=grid,
        in_specs=[
            pl.BlockSpec((_BN_EDGE, D), lambda i: (i, 0)),
            pl.BlockSpec((D, D), lambda i: (0, 0)),
            pl.BlockSpec((1, D), lambda i: (0, 0)),
        ],
        out_specs=pl.BlockSpec((_BN_EDGE, D), lambda i: (i, 0)),
        out_shape=jax.ShapeDtypeStruct((E, D), _f32),
    )(hat, w, b)


def _finish(a1, c1, asig, av, ap, need_p):
    def body(*refs):
        it = iter(refs)
        a1_ref = next(it)
        c1_ref = next(it) if need_p else None
        as_ref = next(it); av_ref = next(it)
        ap_ref = next(it) if need_p else None
        h_ref = next(it)
        p_ref = next(it) if need_p else None

        den = as_ref[0] + as_ref[1] + EPS
        sv = av_ref[0] + av_ref[1]
        hraw = a1_ref[...] + sv / den
        h_ref[...] = jnp.maximum(hraw * INV_BN, 0.0)
        if need_p:
            sp = ap_ref[0] + ap_ref[1]
            p_ref[...] = jnp.tanh(c1_ref[...] + sp / den)

    grid = (N // _BN_NODE,)
    row_blk = pl.BlockSpec((_BN_NODE, D), lambda i: (i, 0))
    acc_blk = pl.BlockSpec((NC, _BN_NODE, D), lambda i: (0, i, 0))
    n_out = 2 if need_p else 1
    in_specs = ([row_blk] + ([row_blk] if need_p else [])
                + [acc_blk] * (3 if need_p else 2))
    args = [a1] + ([c1] if need_p else []) + [asig, av] + ([ap] if need_p else [])
    return pl.pallas_call(
        body, grid=grid, in_specs=in_specs,
        out_specs=[row_blk] * n_out,
        out_shape=[jax.ShapeDtypeStruct((N, D), _f32)] * n_out,
    )(*args)


def _finish_l1(a1, asig, av, bc1, bc2):
    def body(a1_ref, as_ref, av_ref, bc1_ref, bc2_ref, h_ref, p_ref):
        s = as_ref[0] + as_ref[1]
        den = s + EPS
        sv = av_ref[0] + av_ref[1]
        hraw = a1_ref[...] + sv / den
        h_ref[...] = jnp.maximum(hraw * INV_BN, 0.0)
        p_ref[...] = jnp.tanh(bc1_ref[...] + bc2_ref[...] * (s / den))

    grid = (N // _BN_NODE,)
    row_blk = pl.BlockSpec((_BN_NODE, D), lambda i: (i, 0))
    acc_blk = pl.BlockSpec((NC, _BN_NODE, D), lambda i: (0, i, 0))
    bias_blk = pl.BlockSpec((1, D), lambda i: (0, 0))
    return pl.pallas_call(
        body, grid=grid,
        in_specs=[row_blk, acc_blk, acc_blk, bias_blk, bias_blk],
        out_specs=[row_blk, row_blk],
        out_shape=[jax.ShapeDtypeStruct((N, D), _f32)] * 2,
    )(a1, asig, av, bc1, bc2)


def _layer_weights(lp, extra_b, need_p):
    wa1 = lp["A1_w"].T
    wa2 = lp["A2_w"].T
    ws = [lp["B1_w"].T, lp["B2_w"].T, wa1[:D], wa1[D:], wa2[:D], wa2[D:]]
    bb2 = lp["B2_b"] + (extra_b if extra_b is not None else 0.0)
    bs = [lp["B1_b"], bb2, lp["A1_b"], lp["A2_b"]]
    if need_p:
        ws += [lp["C1_w"].T, lp["C2_w"].T]
        bs += [lp["C1_b"], lp["C2_b"]]
    return ([w.astype(_f32) for w in ws],
            [b.reshape(1, D).astype(_f32) for b in bs])


def kernel(features, edge_index, params):
    src = edge_index[0]
    dst = edge_index[1]
    h = features.astype(_f32)
    p = jnp.zeros_like(h)

    l1 = params["layer1"]
    b1, b2, a1, a2 = _prep(h, p, _layer_weights(l1, l1["B3_b"], False), False)
    hat, asig = _sc_hat_sig(src, dst, b1, b2, None, has_b3=False)
    av = _sc_weighted(src, dst, hat, a2)
    h, p = _finish_l1(a1, asig, av,
                      l1["C1_b"].reshape(1, D).astype(_f32),
                      l1["C2_b"].reshape(1, D).astype(_f32))

    l2 = params["layer2"]
    b3e = _edge_linear(hat, l2["B3_w"].T.astype(_f32),
                       l2["B3_b"].reshape(1, D).astype(_f32))
    b1, b2, a1, a2, c1, c2 = _prep(h, p, _layer_weights(l2, None, True), True)
    hat, asig = _sc_hat_sig(src, dst, b1, b2, b3e, has_b3=True)
    av = _sc_weighted(src, dst, hat, a2)
    ap = _sc_weighted(src, dst, hat, c2)
    h, p = _finish(a1, c1, asig, av, ap, True)

    l3 = params["layer3"]
    b3e = _edge_linear(hat, l3["B3_w"].T.astype(_f32),
                       l3["B3_b"].reshape(1, D).astype(_f32))
    b1, b2, a1, a2 = _prep(h, p, _layer_weights(l3, None, False), False)
    hat, asig = _sc_hat_sig(src, dst, b1, b2, b3e, has_b3=True)
    av = _sc_weighted(src, dst, hat, a2)
    h = _finish(a1, None, asig, av, None, False)[0]
    return h

# --- scband reference (transcript-rebuilt; emitter-appended) ---
"""Pipeline reference for scband-gcnpositional-model-19301583028567 (READ-ONLY COPY).

The authoritative reference and input builder live on the scoring server;
editing this copy changes nothing except your own understanding.
"""

import jax, jax.numpy as jnp
import numpy as np

N_NODES = 10000
N_EDGES = 320000
D_IN = 128
D_HID = 128
D_OUT = 128


def _mk_linear(key, in_dim, out_dim):
    k1, k2 = jax.random.split(key)
    lim = 1.0 / np.sqrt(in_dim)
    W = jax.random.uniform(k1, (out_dim, in_dim), minval=-lim, maxval=lim, dtype=jnp.float32)
    b = jax.random.uniform(k2, (out_dim,), minval=-lim, maxval=lim, dtype=jnp.float32)
    return W, b


def _mk_layer_params(key, in_dim, out_dim, e_in_dim):
    specs = [("A1", 2 * in_dim), ("A2", 2 * in_dim), ("B1", in_dim), ("B2", in_dim), ("B3", e_in_dim), ("C1", in_dim), ("C2", in_dim)]
    keys = jax.random.split(key, len(specs))
    params = {}
    for k, (nm, din) in zip(keys, specs):
        W, b = _mk_linear(k, din, out_dim)
        params[nm + "_w"] = W
        params[nm + "_b"] = b
    return params


def setup_inputs(seed: int = 0):
    key = jax.random.key(seed)
    kf, ke, k1, k2, k3 = jax.random.split(key, 5)
    features = jax.random.normal(kf, (N_NODES, D_IN), dtype=jnp.float32)
    edge_index = jax.random.randint(ke, (2, N_EDGES), 0, N_NODES, dtype=jnp.int32)
    params = {
        "layer1": _mk_layer_params(k1, D_IN, D_HID, 1),
        "layer2": _mk_layer_params(k2, D_HID, D_HID, D_HID),
        "layer3": _mk_layer_params(k3, D_HID, D_OUT, D_HID),
    }
    return {"features": features, "edge_index": edge_index, "params": params}


def _linear(x, params, name):
    return x @ params[name + "_w"].T + params[name + "_b"]


def _bn_eval(x):
    # BatchNorm1d in eval mode with running_mean=0, running_var=1, gamma=1, beta=0
    return x / jnp.sqrt(1.0 + 1e-5)


def _gated_gcn_lspe_layer(params, src, dst, h, p, e, n_nodes):
    hp = jnp.concatenate([h, p], axis=-1)
    A1_h = _linear(hp, params, "A1")          # A1(h_i || p_i)
    A2_hp = _linear(hp, params, "A2")         # node-level A2 (hoisted; gathered per edge below)
    C1_p = _linear(p, params, "C1")
    C2_p = _linear(p, params, "C2")
    B1_h = _linear(h, params, "B1")
    B2_h = _linear(h, params, "B2")
    B3_e = _linear(e, params, "B3")
    # hat_eta_ij = B1_h[src] + B2_h[dst] + B3_e  (DGL u_add_v)
    hat_eta = B1_h[src] + B2_h[dst] + B3_e
    sigma = jax.nn.sigmoid(hat_eta)
    sum_sigma = jax.ops.segment_sum(sigma, dst, num_segments=n_nodes)
    eta = sigma / (sum_sigma[dst] + 1e-6)
    # h_i = A1(h_i||p_i) + sum_j eta_ij * A2(h_j||p_j)
    sum_eta_v = jax.ops.segment_sum(eta * A2_hp[src], dst, num_segments=n_nodes)
    h_new = A1_h + sum_eta_v
    # p_i = tanh(C1 p_i + sum_j eta_ij * C2 p_j)
    sum_eta_p = jax.ops.segment_sum(eta * C2_p[src], dst, num_segments=n_nodes)
    p_new = jnp.tanh(C1_p + sum_eta_p)
    e_new = hat_eta
    h_new = jax.nn.relu(_bn_eval(h_new))
    e_new = jax.nn.relu(_bn_eval(e_new))
    # residual=False (default); dropout is identity in eval mode
    return h_new, p_new, e_new


def reference(features, edge_index, params):
    src = edge_index[0]
    dst = edge_index[1]
    n_nodes = features.shape[0]
    h = features
    p = jnp.zeros_like(features)
    e = jnp.zeros((edge_index.shape[1], 1), dtype=features.dtype)
    h, p, e = _gated_gcn_lspe_layer(params["layer1"], src, dst, h, p, e, n_nodes)
    h, p, e = _gated_gcn_lspe_layer(params["layer2"], src, dst, h, p, e, n_nodes)
    h, p, e = _gated_gcn_lspe_layer(params["layer3"], src, dst, h, p, e, n_nodes)
    return h

if __name__ == "__main__":
    import jax
    _d = setup_inputs()
    print(jax.jit(kernel)(*tuple(_d.values())))

</pallas_src>

<mosaic_0001>
#map = affine_map<(d0, d1) -> (0)>
#map1 = affine_map<(d0, d1) -> (0, 0)>
#map2 = affine_map<(d0, d1) -> (0, 0, 0)>
module attributes {stable_mosaic.version = 14 : i64} {
  func.func @body(%arg0: i32, %arg1: i32, %arg2: memref<320000xi32, #tpu.memory_space<hbm>>, %arg3: memref<320000xi32, #tpu.memory_space<hbm>>, %arg4: memref<10000x128xf32, #tpu.memory_space<hbm>>, %arg5: memref<10000x128xf32, #tpu.memory_space<hbm>>, %arg6: memref<320000x128xf32, #tpu.memory_space<hbm>>, %arg7: memref<2x10000x128xf32, #tpu.memory_space<hbm>>, %arg8: memref<40xi32, #tpu.memory_space<vmem>>, %arg9: memref<40xi32, #tpu.memory_space<vmem>>, %arg10: memref<40xi32, #tpu.memory_space<vmem>>, %arg11: memref<40xi32, #tpu.memory_space<vmem>>, %arg12: memref<40xi32, #tpu.memory_space<vmem>>, %arg13: memref<40xi32, #tpu.memory_space<vmem>>, %arg14: memref<40x128xf32, #tpu.memory_space<vmem>>, %arg15: memref<40x128xf32, #tpu.memory_space<vmem>>, %arg16: memref<40x128xf32, #tpu.memory_space<vmem>>, %arg17: memref<40x128xf32, #tpu.memory_space<vmem>>, %arg18: memref<40x128xf32, #tpu.memory_space<vmem>>, %arg19: memref<40x128xf32, #tpu.memory_space<vmem>>, %arg20: memref<40x128xf32, #tpu.memory_space<vmem>>, %arg21: memref<40x128xf32, #tpu.memory_space<vmem>>, %arg22: memref<10000x128xf32, #tpu.memory_space<vmem_shared>>, %arg23: memref<!tpu.dma_semaphore, #tpu.memory_space<semaphore_mem>>, %arg24: memref<!tpu.dma_semaphore, #tpu.memory_space<semaphore_mem>>, %arg25: memref<!tpu.dma_semaphore, #tpu.memory_space<semaphore_mem>>, %arg26: memref<!tpu.dma_semaphore, #tpu.memory_space<semaphore_mem>>, %arg27: memref<!tpu.dma_semaphore, #tpu.memory_space<semaphore_mem>>, %arg28: memref<!tpu.dma_semaphore, #tpu.memory_space<semaphore_mem>>) attributes {dimension_semantics = [#tpu.dimension_semantics<core_parallel>, #tpu.dimension_semantics<subcore_parallel>], iteration_bounds = array<i64: 2, 16>, scalar_prefetch = 0 : i64, scratch_operands = 21 : i64, tpu.core_type = #tpu.core_type<sc_vector_subcore>, window_params = [{transform_indices = #map}, {transform_indices = #map}, {transform_indices = #map1}, {transform_indices = #map1}, {transform_indices = #map1}, {transform_indices = #map2}]} {
    %mul3A = arith.constant 625 : i32
    %mul3A_0 = arith.muli %arg1, %mul3A : i32
    %jit3A = arith.constant 8 : i32
    %div3A = arith.divsi %mul3A_0, %jit3A : i32
    %sign3A = arith.constant 0 : i32
    %sign3A_1 = arith.cmpi sgt, %mul3A_0, %sign3A : i32
    %sign3A_2 = arith.extui %sign3A_1 : i1 to i32
    %sign3A_3 = arith.constant 0 : i32
    %sign3A_4 = arith.cmpi slt, %mul3A_0, %sign3A_3 : i32
    %sign3A_5 = arith.extui %sign3A_4 : i1 to i32
    %sign3A_6 = arith.subi %sign3A_2, %sign3A_5 : i32
    %sign3A_7 = arith.constant 0 : i32
    %sign3A_8 = arith.cmpi sgt, %jit3A, %sign3A_7 : i32
    %sign3A_9 = arith.extui %sign3A_8 : i1 to i32
    %sign3A_10 = arith.constant 0 : i32
    %sign3A_11 = arith.cmpi slt, %jit3A, %sign3A_10 : i32
    %sign3A_12 = arith.extui %sign3A_11 : i1 to i32
    %sign3A_13 = arith.subi %sign3A_9, %sign3A_12 : i32
    %ne3A = arith.cmpi ne, %sign3A_6, %sign3A_13 : i32
    %rem3A = arith.remsi %mul3A_0, %jit3A : i32
    %ne3A_14 = arith.constant 0 : i32
    %ne3A_15 = arith.cmpi ne, %rem3A, %ne3A_14 : i32
    %and3A = arith.andi %ne3A, %ne3A_15 : i1
    %sub3A = arith.constant 1 : i32
    %sub3A_16 = arith.subi %div3A, %sub3A : i32
    %select_n3A = arith.select %and3A, %sub3A_16, %div3A : i32
    %mul3A_17 = arith.constant 8 : i32
    %mul3A_18 = arith.muli %select_n3A, %mul3A_17 : i32
    %mul3A_19 = arith.constant 16 : i32
    %mul3A_20 = arith.muli %arg0, %mul3A_19 : i32
    %add3A = arith.addi %mul3A_20, %arg1 : i32
    %mul3A_21 = arith.constant 10000 : i32
    %mul3A_22 = arith.muli %add3A, %mul3A_21 : i32
    %scan3A = arith.constant 0 : i32
    %scan3A_23 = arith.constant 0 : i32
    %scan3A_24 = arith.constant 40 : i32
    %scan3A_25 = arith.addi %scan3A_23, %scan3A_24 : i32
    %scan3A_26 = arith.constant 1 : i32
    scf.for %scan3A_91 = %scan3A_23 to %scan3A_25 step %scan3A_26  : i32 {
      %broadcast_in_dim3A = arith.constant 0.000000e+00 : f32
      %broadcast_in_dim3A_92 = vector.broadcast %broadcast_in_dim3A : f32 to vector<16xf32>
      %swap3A = arith.index_cast %scan3A_91 : i32 to index
      %swap3A_93 = arith.constant 0 : index
      %swap3A_94 = tpu.vector_load %arg14[%swap3A, %swap3A_93] {strides = array<i32>} : memref<40x128xf32, #tpu.memory_space<vmem>>, vector<1x16xf32>,
      %swap3A_95 = vector.shape_cast %swap3A_94 : vector<1x16xf32> to vector<16xf32>
      %swap3A_96 = vector.shape_cast %broadcast_in_dim3A_92 : vector<16xf32> to vector<1x16xf32>
      tpu.vector_store %arg14[%swap3A, %swap3A_93], %swap3A_96 {strides = array<i32>} : memref<40x128xf32, #tpu.memory_space<vmem>>, vector<1x16xf32>,
      %broadcast_in_dim3A_97 = arith.constant 0.000000e+00 : f32
      %broadcast_in_dim3A_98 = vector.broadcast %broadcast_in_dim3A_97 : f32 to vector<16xf32>
      %swap3A_99 = arith.index_cast %scan3A_91 : i32 to index
      %swap3A_100 = arith.constant 16 : index
      %swap3A_101 = tpu.vector_load %arg14[%swap3A_99, %swap3A_100] {strides = array<i32>} : memref<40x128xf32, #tpu.memory_space<vmem>>, vector<1x16xf32>,
      %swap3A_102 = vector.shape_cast %swap3A_101 : vector<1x16xf32> to vector<16xf32>
      %swap3A_103 = vector.shape_cast %broadcast_in_dim3A_98 : vector<16xf32> to vector<1x16xf32>
      tpu.vector_store %arg14[%swap3A_99, %swap3A_100], %swap3A_103 {strides = array<i32>} : memref<40x128xf32, #tpu.memory_space<vmem>>, vector<1x16xf32>,
      %broadcast_in_dim3A_104 = arith.constant 0.000000e+00 : f32
      %broadcast_in_dim3A_105 = vector.broadcast %broadcast_in_dim3A_104 : f32 to vector<16xf32>
      %swap3A_106 = arith.index_cast %scan3A_91 : i32 to index
      %swap3A_107 = arith.constant 32 : index
      %swap3A_108 = tpu.vector_load %arg14[%swap3A_106, %swap3A_107] {strides = array<i32>} : memref<40x128xf32, #tpu.memory_space<vmem>>, vector<1x16xf32>,
      %swap3A_109 = vector.shape_cast %swap3A_108 : vector<1x16xf32> to vector<16xf32>
      %swap3A_110 = vector.shape_cast %broadcast_in_dim3A_105 : vector<16xf32> to vector<1x16xf32>
      tpu.vector_store %arg14[%swap3A_106, %swap3A_107], %swap3A_110 {strides = array<i32>} : memref<40x128xf32, #tpu.memory_space<vmem>>, vector<1x16xf32>,
      %broadcast_in_dim3A_111 = arith.constant 0.000000e+00 : f32
      %broadcast_in_dim3A_112 = vector.broadcast %broadcast_in_dim3A_111 : f32 to vector<16xf32>
      %swap3A_113 = arith.index_cast %scan3A_91 : i32 to index
      %swap3A_114 = arith.constant 48 : index
      %swap3A_115 = tpu.vector_load %arg14[%swap3A_113, %swap3A_114] {strides = array<i32>} : memref<40x128xf32, #tpu.memory_space<vmem>>, vector<1x16xf32>,
      %swap3A_116 = vector.shape_cast %swap3A_115 : vector<1x16xf32> to vector<16xf32>
      %swap3A_117 = vector.shape_cast %broadcast_in_dim3A_112 : vector<16xf32> to vector<1x16xf32>
      tpu.vector_store %arg14[%swap3A_113, %swap3A_114], %swap3A_117 {strides = array<i32>} : memref<40x128xf32, #tpu.memory_space<vmem>>, vector<1x16xf32>,
      %broadcast_in_dim3A_118 = arith.constant 0.000000e+00 : f32
      %broadcast_in_dim3A_119 = vector.broadcast %broadcast_in_dim3A_118 : f32 to vector<16xf32>
      %swap3A_120 = arith.index_cast %scan3A_91 : i32 to index
      %swap3A_121 = arith.constant 64 : index
      %swap3A_122 = tpu.vector_load %arg14[%swap3A_120, %swap3A_121] {strides = array<i32>} : memref<40x128xf32, #tpu.memory_space<vmem>>, vector<1x16xf32>,
      %swap3A_123 = vector.shape_cast %swap3A_122 : vector<1x16xf32> to vector<16xf32>
      %swap3A_124 = vector.shape_cast %broadcast_in_dim3A_119 : vector<16xf32> to vector<1x16xf32>
      tpu.vector_store %arg14[%swap3A_120, %swap3A_121], %swap3A_124 {strides = array<i32>} : memref<40x128xf32, #tpu.memory_space<vmem>>, vector<1x16xf32>,
      %broadcast_in_dim3A_125 = arith.constant 0.000000e+00 : f32
      %broadcast_in_dim3A_126 = vector.broadcast %broadcast_in_dim3A_125 : f32 to vector<16xf32>
      %swap3A_127 = arith.index_cast %scan3A_91 : i32 to index
      %swap3A_128 = arith.constant 80 : index
      %swap3A_129 = tpu.vector_load %arg14[%swap3A_127, %swap3A_128] {strides = array<i32>} : memref<40x128xf32, #tpu.memory_space<vmem>>, vector<1x16xf32>,
      %swap3A_130 = vector.shape_cast %swap3A_129 : vector<1x16xf32> to vector<16xf32>
      %swap3A_131 = vector.shape_cast %broadcast_in_dim3A_126 : vector<16xf32> to vector<1x16xf32>
      tpu.vector_store %arg14[%swap3A_127, %swap3A_128], %swap3A_131 {strides = array<i32>} : memref<40x128xf32, #tpu.memory_space<vmem>>, vector<1x16xf32>,
      %broadcast_in_dim3A_132 = arith.constant 0.000000e+00 : f32
      %broadcast_in_dim3A_133 = vector.broadcast %broadcast_in_dim3A_132 : f32 to vector<16xf32>
      %swap3A_134 = arith.index_cast %scan3A_91 : i32 to index
      %swap3A_135 = arith.constant 96 : index
      %swap3A_136 = tpu.vector_load %arg14[%swap3A_134, %swap3A_135] {strides = array<i32>} : memref<40x128xf32, #tpu.memory_space<vmem>>, vector<1x16xf32>,
      %swap3A_137 = vector.shape_cast %swap3A_136 : vector<1x16xf32> to vector<16xf32>
      %swap3A_138 = vector.shape_cast %broadcast_in_dim3A_133 : vector<16xf32> to vector<1x16xf32>
      tpu.vector_store %arg14[%swap3A_134, %swap3A_135], %swap3A_138 {strides = array<i32>} : memref<40x128xf32, #tpu.memory_space<vmem>>, vector<1x16xf32>,
      %broadcast_in_dim3A_139 = arith.constant 0.000000e+00 : f32
      %broadcast_in_dim3A_140 = vector.broadcast %broadcast_in_dim3A_139 : f32 to vector<16xf32>
      %swap3A_141 = arith.index_cast %scan3A_91 : i32 to index
      %swap3A_142 = arith.constant 112 : index
      %swap3A_143 = tpu.vector_load %arg14[%swap3A_141, %swap3A_142] {strides = array<i32>} : memref<40x128xf32, #tpu.memory_space<vmem>>, vector<1x16xf32>,
      %swap3A_144 = vector.shape_cast %swap3A_143 : vector<1x16xf32> to vector<16xf32>
      %swap3A_145 = vector.shape_cast %broadcast_in_dim3A_140 : vector<16xf32> to vector<1x16xf32>
      tpu.vector_store %arg14[%swap3A_141, %swap3A_142], %swap3A_145 {strides = array<i32>} : memref<40x128xf32, #tpu.memory_space<vmem>>, vector<1x16xf32>,
    }
    %scan3A_27 = arith.constant 40 : i32
    %add3A_28 = arith.constant 0 : i32
    %add3A_29 = arith.addi %mul3A_18, %add3A_28 : i32
    "tpu.region"() ({
      %run_scoped3A = tpu.sem_alloc : memref<!tpu.dma_semaphore, #tpu.memory_space<semaphore_mem>>
      %dma_start3A_91 = arith.constant 0 : i32
      %dma_start3A_92 = tpu.memref_slice %arg22[%add3A_29, %dma_start3A_91] : memref<10000x128xf32, #tpu.memory_space<vmem_shared>> -> memref<40x128xf32, #tpu.memory_space<vmem_shared>>
      %dma_start3A_93 = arith.constant 0 : i32
      %dma_start3A_94 = tpu.memref_slice %arg22[%add3A_29, %dma_start3A_93] : memref<10000x128xf32, #tpu.memory_space<vmem_shared>> -> memref<40x128xf32, #tpu.memory_space<vmem_shared>>
      tpu.enqueue_dma source(%arg14 : memref<40x128xf32, #tpu.memory_space<vmem>>) target(%dma_start3A_94 : memref<40x128xf32, #tpu.memory_space<vmem_shared>>) target_semaphore(%run_scoped3A : memref<!tpu.dma_semaphore, #tpu.memory_space<semaphore_mem>>)
      %dma_wait3A_95 = arith.constant 0 : i32
      %dma_wait3A_96 = tpu.memref_slice %arg22[%add3A_29, %dma_wait3A_95] : memref<10000x128xf32, #tpu.memory_space<vmem_shared>> -> memref<40x128xf32, #tpu.memory_space<vmem_shared>>
      %dma_wait3A_97 = arith.constant 0 : i32
      %dma_wait3A_98 = tpu.memref_slice %arg22[%add3A_29, %dma_wait3A_97] : memref<10000x128xf32, #tpu.memory_space<vmem_shared>> -> memref<40x128xf32, #tpu.memory_space<vmem_shared>>
      tpu.wait_dma2 semaphore(%run_scoped3A : memref<!tpu.dma_semaphore, #tpu.memory_space<semaphore_mem>>) src(%arg14 : memref<40x128xf32, #tpu.memory_space<vmem>>) dst(%dma_wait3A_98 : memref<40x128xf32, #tpu.memory_space<vmem_shared>>)
      tpu.yield
    }) : () -> ()
    %add3A_30 = arith.constant 40 : i32
    %add3A_31 = arith.addi %mul3A_18, %add3A_30 : i32
    "tpu.region"() ({
      %run_scoped3A = tpu.sem_alloc : memref<!tpu.dma_semaphore, #tpu.memory_space<semaphore_mem>>
      %dma_start3A_91 = arith.constant 0 : i32
      %dma_start3A_92 = tpu.memref_slice %arg22[%add3A_31, %dma_start3A_91] : memref<10000x128xf32, #tpu.memory_space<vmem_shared>> -> memref<40x128xf32, #tpu.memory_space<vmem_shared>>
      %dma_start3A_93 = arith.constant 0 : i32
      %dma_start3A_94 = tpu.memref_slice %arg22[%add3A_31, %dma_start3A_93] : memref<10000x128xf32, #tpu.memory_space<vmem_shared>> -> memref<40x128xf32, #tpu.memory_space<vmem_shared>>
      tpu.enqueue_dma source(%arg14 : memref<40x128xf32, #tpu.memory_space<vmem>>) target(%dma_start3A_94 : memref<40x128xf32, #tpu.memory_space<vmem_shared>>) target_semaphore(%run_scoped3A : memref<!tpu.dma_semaphore, #tpu.memory_space<semaphore_mem>>)
      %dma_wait3A_95 = arith.constant 0 : i32
      %dma_wait3A_96 = tpu.memref_slice %arg22[%add3A_31, %dma_wait3A_95] : memref<10000x128xf32, #tpu.memory_space<vmem_shared>> -> memref<40x128xf32, #tpu.memory_space<vmem_shared>>
      %dma_wait3A_97 = arith.constant 0 : i32
      %dma_wait3A_98 = tpu.memref_slice %arg22[%add3A_31, %dma_wait3A_97] : memref<10000x128xf32, #tpu.memory_space<vmem_shared>> -> memref<40x128xf32, #tpu.memory_space<vmem_shared>>
      tpu.wait_dma2 semaphore(%run_scoped3A : memref<!tpu.dma_semaphore, #tpu.memory_space<semaphore_mem>>) src(%arg14 : memref<40x128xf32, #tpu.memory_space<vmem>>) dst(%dma_wait3A_98 : memref<40x128xf32, #tpu.memory_space<vmem_shared>>)
      tpu.yield
    }) : () -> ()
    %add3A_32 = arith.constant 80 : i32
    %add3A_33 = arith.addi %mul3A_18, %add3A_32 : i32
    "tpu.region"() ({
      %run_scoped3A = tpu.sem_alloc : memref<!tpu.dma_semaphore, #tpu.memory_space<semaphore_mem>>
      %dma_start3A_91 = arith.constant 0 : i32
      %dma_start3A_92 = tpu.memref_slice %arg22[%add3A_33, %dma_start3A_91] : memref<10000x128xf32, #tpu.memory_space<vmem_shared>> -> memref<40x128xf32, #tpu.memory_space<vmem_shared>>
      %dma_start3A_93 = arith.constant 0 : i32
      %dma_start3A_94 = tpu.memref_slice %arg22[%add3A_33, %dma_start3A_93] : memref<10000x128xf32, #tpu.memory_space<vmem_shared>> -> memref<40x128xf32, #tpu.memory_space<vmem_shared>>
      tpu.enqueue_dma source(%arg14 : memref<40x128xf32, #tpu.memory_space<vmem>>) target(%dma_start3A_94 : memref<40x128xf32, #tpu.memory_space<vmem_shared>>) target_semaphore(%run_scoped3A : memref<!tpu.dma_semaphore, #tpu.memory_space<semaphore_mem>>)
      %dma_wait3A_95 = arith.constant 0 : i32
      %dma_wait3A_96 = tpu.memref_slice %arg22[%add3A_33, %dma_wait3A_95] : memref<10000x128xf32, #tpu.memory_space<vmem_shared>> -> memref<40x128xf32, #tpu.memory_space<vmem_shared>>
      %dma_wait3A_97 = arith.constant 0 : i32
      %dma_wait3A_98 = tpu.memref_slice %arg22[%add3A_33, %dma_wait3A_97] : memref<10000x128xf32, #tpu.memory_space<vmem_shared>> -> memref<40x128xf32, #tpu.memory_space<vmem_shared>>
      tpu.wait_dma2 semaphore(%run_scoped3A : memref<!tpu.dma_semaphore, #tpu.memory_space<semaphore_mem>>) src(%arg14 : memref<40x128xf32, #tpu.memory_space<vmem>>) dst(%dma_wait3A_98 : memref<40x128xf32, #tpu.memory_space<vmem_shared>>)
      tpu.yield
    }) : () -> ()
    %add3A_34 = arith.constant 120 : i32
    %add3A_35 = arith.addi %mul3A_18, %add3A_34 : i32
    "tpu.region"() ({
      %run_scoped3A = tpu.sem_alloc : memref<!tpu.dma_semaphore, #tpu.memory_space<semaphore_mem>>
      %dma_start3A_91 = arith.constant 0 : i32
      %dma_start3A_92 = tpu.memref_slice %arg22[%add3A_35, %dma_start3A_91] : memref<10000x128xf32, #tpu.memory_space<vmem_shared>> -> memref<40x128xf32, #tpu.memory_space<vmem_shared>>
      %dma_start3A_93 = arith.constant 0 : i32
      %dma_start3A_94 = tpu.memref_slice %arg22[%add3A_35, %dma_start3A_93] : memref<10000x128xf32, #tpu.memory_space<vmem_shared>> -> memref<40x128xf32, #tpu.memory_space<vmem_shared>>
      tpu.enqueue_dma source(%arg14 : memref<40x128xf32, #tpu.memory_space<vmem>>) target(%dma_start3A_94 : memref<40x128xf32, #tpu.memory_space<vmem_shared>>) target_semaphore(%run_scoped3A : memref<!tpu.dma_semaphore, #tpu.memory_space<semaphore_mem>>)
      %dma_wait3A_95 = arith.constant 0 : i32
      %dma_wait3A_96 = tpu.memref_slice %arg22[%add3A_35, %dma_wait3A_95] : memref<10000x128xf32, #tpu.memory_space<vmem_shared>> -> memref<40x128xf32, #tpu.memory_space<vmem_shared>>
      %dma_wait3A_97 = arith.constant 0 : i32
      %dma_wait3A_98 = tpu.memref_slice %arg22[%add3A_35, %dma_wait3A_97] : memref<10000x128xf32, #tpu.memory_space<vmem_shared>> -> memref<40x128xf32, #tpu.memory_space<vmem_shared>>
      tpu.wait_dma2 semaphore(%run_scoped3A : memref<!tpu.dma_semaphore, #tpu.memory_space<semaphore_mem>>) src(%arg14 : memref<40x128xf32, #tpu.memory_space<vmem>>) dst(%dma_wait3A_98 : memref<40x128xf32, #tpu.memory_space<vmem_shared>>)
      tpu.yield
    }) : () -> ()
    %add3A_36 = arith.constant 160 : i32
    %add3A_37 = arith.addi %mul3A_18, %add3A_36 : i32
    "tpu.region"() ({
      %run_scoped3A = tpu.sem_alloc : memref<!tpu.dma_semaphore, #tpu.memory_space<semaphore_mem>>
      %dma_start3A_91 = arith.constant 0 : i32
      %dma_start3A_92 = tpu.memref_slice %arg22[%add3A_37, %dma_start3A_91] : memref<10000x128xf32, #tpu.memory_space<vmem_shared>> -> memref<40x128xf32, #tpu.memory_space<vmem_shared>>
      %dma_start3A_93 = arith.constant 0 : i32
      %dma_start3A_94 = tpu.memref_slice %arg22[%add3A_37, %dma_start3A_93] : memref<10000x128xf32, #tpu.memory_space<vmem_shared>> -> memref<40x128xf32, #tpu.memory_space<vmem_shared>>
      tpu.enqueue_dma source(%arg14 : memref<40x128xf32, #tpu.memory_space<vmem>>) target(%dma_start3A_94 : memref<40x128xf32, #tpu.memory_space<vmem_shared>>) target_semaphore(%run_scoped3A : memref<!tpu.dma_semaphore, #tpu.memory_space<semaphore_mem>>)
      %dma_wait3A_95 = arith.constant 0 : i32
      %dma_wait3A_96 = tpu.memref_slice %arg22[%add3A_37, %dma_wait3A_95] : memref<10000x128xf32, #tpu.memory_space<vmem_shared>> -> memref<40x128xf32, #tpu.memory_space<vmem_shared>>
      %dma_wait3A_97 = arith.constant 0 : i32
      %dma_wait3A_98 = tpu.memref_slice %arg22[%add3A_37, %dma_wait3A_97] : memref<10000x128xf32, #tpu.memory_space<vmem_shared>> -> memref<40x128xf32, #tpu.memory_space<vmem_shared>>
      tpu.wait_dma2 semaphore(%run_scoped3A : memref<!tpu.dma_semaphore, #tpu.memory_space<semaphore_mem>>) src(%arg14 : memref<40x128xf32, #tpu.memory_space<vmem>>) dst(%dma_wait3A_98 : memref<40x128xf32, #tpu.memory_space<vmem_shared>>)
      tpu.yield
    }) : () -> ()
    %add3A_38 = arith.constant 200 : i32
    %add3A_39 = arith.addi %mul3A_18, %add3A_38 : i32
    "tpu.region"() ({
      %run_scoped3A = tpu.sem_alloc : memref<!tpu.dma_semaphore, #tpu.memory_space<semaphore_mem>>
      %dma_start3A_91 = arith.constant 0 : i32
      %dma_start3A_92 = tpu.memref_slice %arg22[%add3A_39, %dma_start3A_91] : memref<10000x128xf32, #tpu.memory_space<vmem_shared>> -> memref<40x128xf32, #tpu.memory_space<vmem_shared>>
      %dma_start3A_93 = arith.constant 0 : i32
      %dma_start3A_94 = tpu.memref_slice %arg22[%add3A_39, %dma_start3A_93] : memref<10000x128xf32, #tpu.memory_space<vmem_shared>> -> memref<40x128xf32, #tpu.memory_space<vmem_shared>>
      tpu.enqueue_dma source(%arg14 : memref<40x128xf32, #tpu.memory_space<vmem>>) target(%dma_start3A_94 : memref<40x128xf32, #tpu.memory_space<vmem_shared>>) target_semaphore(%run_scoped3A : memref<!tpu.dma_semaphore, #tpu.memory_space<semaphore_mem>>)
      %dma_wait3A_95 = arith.constant 0 : i32
      %dma_wait3A_96 = tpu.memref_slice %arg22[%add3A_39, %dma_wait3A_95] : memref<10000x128xf32, #tpu.memory_space<vmem_shared>> -> memref<40x128xf32, #tpu.memory_space<vmem_shared>>
      %dma_wait3A_97 = arith.constant 0 : i32
      %dma_wait3A_98 = tpu.memref_slice %arg22[%add3A_39, %dma_wait3A_97] : memref<10000x128xf32, #tpu.memory_space<vmem_shared>> -> memref<40x128xf32, #tpu.memory_space<vmem_shared>>
      tpu.wait_dma2 semaphore(%run_scoped3A : memref<!tpu.dma_semaphore, #tpu.memory_space<semaphore_mem>>) src(%arg14 : memref<40x128xf32, #tpu.memory_space<vmem>>) dst(%dma_wait3A_98 : memref<40x128xf32, #tpu.memory_space<vmem_shared>>)
      tpu.yield
    }) : () -> ()
    %add3A_40 = arith.constant 240 : i32
    %add3A_41 = arith.addi %mul3A_18, %add3A_40 : i32
    "tpu.region"() ({
      %run_scoped3A = tpu.sem_alloc : memref<!tpu.dma_semaphore, #tpu.memory_space<semaphore_mem>>
      %dma_start3A_91 = arith.constant 0 : i32
      %dma_start3A_92 = tpu.memref_slice %arg22[%add3A_41, %dma_start3A_91] : memref<10000x128xf32, #tpu.memory_space<vmem_shared>> -> memref<40x128xf32, #tpu.memory_space<vmem_shared>>
      %dma_start3A_93 = arith.constant 0 : i32
      %dma_start3A_94 = tpu.memref_slice %arg22[%add3A_41, %dma_start3A_93] : memref<10000x128xf32, #tpu.memory_space<vmem_shared>> -> memref<40x128xf32, #tpu.memory_space<vmem_shared>>
      tpu.enqueue_dma source(%arg14 : memref<40x128xf32, #tpu.memory_space<vmem>>) target(%dma_start3A_94 : memref<40x128xf32, #tpu.memory_space<vmem_shared>>) target_semaphore(%run_scoped3A : memref<!tpu.dma_semaphore, #tpu.memory_space<semaphore_mem>>)
      %dma_wait3A_95 = arith.constant 0 : i32
      %dma_wait3A_96 = tpu.memref_slice %arg22[%add3A_41, %dma_wait3A_95] : memref<10000x128xf32, #tpu.memory_space<vmem_shared>> -> memref<40x128xf32, #tpu.memory_space<vmem_shared>>
      %dma_wait3A_97 = arith.constant 0 : i32
      %dma_wait3A_98 = tpu.memref_slice %arg22[%add3A_41, %dma_wait3A_97] : memref<10000x128xf32, #tpu.memory_space<vmem_shared>> -> memref<40x128xf32, #tpu.memory_space<vmem_shared>>
      tpu.wait_dma2 semaphore(%run_scoped3A : memref<!tpu.dma_semaphore, #tpu.memory_space<semaphore_mem>>) src(%arg14 : memref<40x128xf32, #tpu.memory_space<vmem>>) dst(%dma_wait3A_98 : memref<40x128xf32, #tpu.memory_space<vmem_shared>>)
      tpu.yield
    }) : () -> ()
    %add3A_42 = arith.constant 280 : i32
    %add3A_43 = arith.addi %mul3A_18, %add3A_42 : i32
    "tpu.region"() ({
      %run_scoped3A = tpu.sem_alloc : memref<!tpu.dma_semaphore, #tpu.memory_space<semaphore_mem>>
      %dma_start3A_91 = arith.constant 0 : i32
      %dma_start3A_92 = tpu.memref_slice %arg22[%add3A_43, %dma_start3A_91] : memref<10000x128xf32, #tpu.memory_space<vmem_shared>> -> memref<40x128xf32, #tpu.memory_space<vmem_shared>>
      %dma_start3A_93 = arith.constant 0 : i32
      %dma_start3A_94 = tpu.memref_slice %arg22[%add3A_43, %dma_start3A_93] : memref<10000x128xf32, #tpu.memory_space<vmem_shared>> -> memref<40x128xf32, #tpu.memory_space<vmem_shared>>
      tpu.enqueue_dma source(%arg14 : memref<40x128xf32, #tpu.memory_space<vmem>>) target(%dma_start3A_94 : memref<40x128xf32, #tpu.memory_space<vmem_shared>>) target_semaphore(%run_scoped3A : memref<!tpu.dma_semaphore, #tpu.memory_space<semaphore_mem>>)
      %dma_wait3A_95 = arith.constant 0 : i32
      %dma_wait3A_96 = tpu.memref_slice %arg22[%add3A_43, %dma_wait3A_95] : memref<10000x128xf32, #tpu.memory_space<vmem_shared>> -> memref<40x128xf32, #tpu.memory_space<vmem_shared>>
      %dma_wait3A_97 = arith.constant 0 : i32
      %dma_wait3A_98 = tpu.memref_slice %arg22[%add3A_43, %dma_wait3A_97] : memref<10000x128xf32, #tpu.memory_space<vmem_shared>> -> memref<40x128xf32, #tpu.memory_space<vmem_shared>>
      tpu.wait_dma2 semaphore(%run_scoped3A : memref<!tpu.dma_semaphore, #tpu.memory_space<semaphore_mem>>) src(%arg14 : memref<40x128xf32, #tpu.memory_space<vmem>>) dst(%dma_wait3A_98 : memref<40x128xf32, #tpu.memory_space<vmem_shared>>)
      tpu.yield
    }) : () -> ()
    %add3A_44 = arith.constant 320 : i32
    %add3A_45 = arith.addi %mul3A_18, %add3A_44 : i32
    "tpu.region"() ({
      %run_scoped3A = tpu.sem_alloc : memref<!tpu.dma_semaphore, #tpu.memory_space<semaphore_mem>>
      %dma_start3A_91 = arith.constant 0 : i32
      %dma_start3A_92 = tpu.memref_slice %arg22[%add3A_45, %dma_start3A_91] : memref<10000x128xf32, #tpu.memory_space<vmem_shared>> -> memref<40x128xf32, #tpu.memory_space<vmem_shared>>
      %dma_start3A_93 = arith.constant 0 : i32
      %dma_start3A_94 = tpu.memref_slice %arg22[%add3A_45, %dma_start3A_93] : memref<10000x128xf32, #tpu.memory_space<vmem_shared>> -> memref<40x128xf32, #tpu.memory_space<vmem_shared>>
      tpu.enqueue_dma source(%arg14 : memref<40x128xf32, #tpu.memory_space<vmem>>) target(%dma_start3A_94 : memref<40x128xf32, #tpu.memory_space<vmem_shared>>) target_semaphore(%run_scoped3A : memref<!tpu.dma_semaphore, #tpu.memory_space<semaphore_mem>>)
      %dma_wait3A_95 = arith.constant 0 : i32
      %dma_wait3A_96 = tpu.memref_slice %arg22[%add3A_45, %dma_wait3A_95] : memref<10000x128xf32, #tpu.memory_space<vmem_shared>> -> memref<40x128xf32, #tpu.memory_space<vmem_shared>>
      %dma_wait3A_97 = arith.constant 0 : i32
      %dma_wait3A_98 = tpu.memref_slice %arg22[%add3A_45, %dma_wait3A_97] : memref<10000x128xf32, #tpu.memory_space<vmem_shared>> -> memref<40x128xf32, #tpu.memory_space<vmem_shared>>
      tpu.wait_dma2 semaphore(%run_scoped3A : memref<!tpu.dma_semaphore, #tpu.memory_space<semaphore_mem>>) src(%arg14 : memref<40x128xf32, #tpu.memory_space<vmem>>) dst(%dma_wait3A_98 : memref<40x128xf32, #tpu.memory_space<vmem_shared>>)
      tpu.yield
    }) : () -> ()
    %add3A_46 = arith.constant 360 : i32
    %add3A_47 = arith.addi %mul3A_18, %add3A_46 : i32
    "tpu.region"() ({
      %run_scoped3A = tpu.sem_alloc : memref<!tpu.dma_semaphore, #tpu.memory_space<semaphore_mem>>
      %dma_start3A_91 = arith.constant 0 : i32
      %dma_start3A_92 = tpu.memref_slice %arg22[%add3A_47, %dma_start3A_91] : memref<10000x128xf32, #tpu.memory_space<vmem_shared>> -> memref<40x128xf32, #tpu.memory_space<vmem_shared>>
      %dma_start3A_93 = arith.constant 0 : i32
      %dma_start3A_94 = tpu.memref_slice %arg22[%add3A_47, %dma_start3A_93] : memref<10000x128xf32, #tpu.memory_space<vmem_shared>> -> memref<40x128xf32, #tpu.memory_space<vmem_shared>>
      tpu.enqueue_dma source(%arg14 : memref<40x128xf32, #tpu.memory_space<vmem>>) target(%dma_start3A_94 : memref<40x128xf32, #tpu.memory_space<vmem_shared>>) target_semaphore(%run_scoped3A : memref<!tpu.dma_semaphore, #tpu.memory_space<semaphore_mem>>)
      %dma_wait3A_95 = arith.constant 0 : i32
      %dma_wait3A_96 = tpu.memref_slice %arg22[%add3A_47, %dma_wait3A_95] : memref<10000x128xf32, #tpu.memory_space<vmem_shared>> -> memref<40x128xf32, #tpu.memory_space<vmem_shared>>
      %dma_wait3A_97 = arith.constant 0 : i32
      %dma_wait3A_98 = tpu.memref_slice %arg22[%add3A_47, %dma_wait3A_97] : memref<10000x128xf32, #tpu.memory_space<vmem_shared>> -> memref<40x128xf32, #tpu.memory_space<vmem_shared>>
      tpu.wait_dma2 semaphore(%run_scoped3A : memref<!tpu.dma_semaphore, #tpu.memory_space<semaphore_mem>>) src(%arg14 : memref<40x128xf32, #tpu.memory_space<vmem>>) dst(%dma_wait3A_98 : memref<40x128xf32, #tpu.memory_space<vmem_shared>>)
      tpu.yield
    }) : () -> ()
    %add3A_48 = arith.constant 400 : i32
    %add3A_49 = arith.addi %mul3A_18, %add3A_48 : i32
    "tpu.region"() ({
      %run_scoped3A = tpu.sem_alloc : memref<!tpu.dma_semaphore, #tpu.memory_space<semaphore_mem>>
      %dma_start3A_91 = arith.constant 0 : i32
      %dma_start3A_92 = tpu.memref_slice %arg22[%add3A_49, %dma_start3A_91] : memref<10000x128xf32, #tpu.memory_space<vmem_shared>> -> memref<40x128xf32, #tpu.memory_space<vmem_shared>>
      %dma_start3A_93 = arith.constant 0 : i32
      %dma_start3A_94 = tpu.memref_slice %arg22[%add3A_49, %dma_start3A_93] : memref<10000x128xf32, #tpu.memory_space<vmem_shared>> -> memref<40x128xf32, #tpu.memory_space<vmem_shared>>
      tpu.enqueue_dma source(%arg14 : memref<40x128xf32, #tpu.memory_space<vmem>>) target(%dma_start3A_94 : memref<40x128xf32, #tpu.memory_space<vmem_shared>>) target_semaphore(%run_scoped3A : memref<!tpu.dma_semaphore, #tpu.memory_space<semaphore_mem>>)
      %dma_wait3A_95 = arith.constant 0 : i32
      %dma_wait3A_96 = tpu.memref_slice %arg22[%add3A_49, %dma_wait3A_95] : memref<10000x128xf32, #tpu.memory_space<vmem_shared>> -> memref<40x128xf32, #tpu.memory_space<vmem_shared>>
      %dma_wait3A_97 = arith.constant 0 : i32
      %dma_wait3A_98 = tpu.memref_slice %arg22[%add3A_49, %dma_wait3A_97] : memref<10000x128xf32, #tpu.memory_space<vmem_shared>> -> memref<40x128xf32, #tpu.memory_space<vmem_shared>>
      tpu.wait_dma2 semaphore(%run_scoped3A : memref<!tpu.dma_semaphore, #tpu.memory_space<semaphore_mem>>) src(%arg14 : memref<40x128xf32, #tpu.memory_space<vmem>>) dst(%dma_wait3A_98 : memref<40x128xf32, #tpu.memory_space<vmem_shared>>)
      tpu.yield
    }) : () -> ()
    %add3A_50 = arith.constant 440 : i32
    %add3A_51 = arith.addi %mul3A_18, %add3A_50 : i32
    "tpu.region"() ({
      %run_scoped3A = tpu.sem_alloc : memref<!tpu.dma_semaphore, #tpu.memory_space<semaphore_mem>>
      %dma_start3A_91 = arith.constant 0 : i32
      %dma_start3A_92 = tpu.memref_slice %arg22[%add3A_51, %dma_start3A_91] : memref<10000x128xf32, #tpu.memory_space<vmem_shared>> -> memref<40x128xf32, #tpu.memory_space<vmem_shared>>
      %dma_start3A_93 = arith.constant 0 : i32
      %dma_start3A_94 = tpu.memref_slice %arg22[%add3A_51, %dma_start3A_93] : memref<10000x128xf32, #tpu.memory_space<vmem_shared>> -> memref<40x128xf32, #tpu.memory_space<vmem_shared>>
      tpu.enqueue_dma source(%arg14 : memref<40x128xf32, #tpu.memory_space<vmem>>) target(%dma_start3A_94 : memref<40x128xf32, #tpu.memory_space<vmem_shared>>) target_semaphore(%run_scoped3A : memref<!tpu.dma_semaphore, #tpu.memory_space<semaphore_mem>>)
      %dma_wait3A_95 = arith.constant 0 : i32
      %dma_wait3A_96 = tpu.memref_slice %arg22[%add3A_51, %dma_wait3A_95] : memref<10000x128xf32, #tpu.memory_space<vmem_shared>> -> memref<40x128xf32, #tpu.memory_space<vmem_shared>>
      %dma_wait3A_97 = arith.constant 0 : i32
      %dma_wait3A_98 = tpu.memref_slice %arg22[%add3A_51, %dma_wait3A_97] : memref<10000x128xf32, #tpu.memory_space<vmem_shared>> -> memref<40x128xf32, #tpu.memory_space<vmem_shared>>
      tpu.wait_dma2 semaphore(%run_scoped3A : memref<!tpu.dma_semaphore, #tpu.memory_space<semaphore_mem>>) src(%arg14 : memref<40x128xf32, #tpu.memory_space<vmem>>) dst(%dma_wait3A_98 : memref<40x128xf32, #tpu.memory_space<vmem_shared>>)
      tpu.yield
    }) : () -> ()
    %add3A_52 = arith.constant 480 : i32
    %add3A_53 = arith.addi %mul3A_18, %add3A_52 : i32
    "tpu.region"() ({
      %run_scoped3A = tpu.sem_alloc : memref<!tpu.dma_semaphore, #tpu.memory_space<semaphore_mem>>
      %dma_start3A_91 = arith.constant 0 : i32
      %dma_start3A_92 = tpu.memref_slice %arg22[%add3A_53, %dma_start3A_91] : memref<10000x128xf32, #tpu.memory_space<vmem_shared>> -> memref<40x128xf32, #tpu.memory_space<vmem_shared>>
      %dma_start3A_93 = arith.constant 0 : i32
      %dma_start3A_94 = tpu.memref_slice %arg22[%add3A_53, %dma_start3A_93] : memref<10000x128xf32, #tpu.memory_space<vmem_shared>> -> memref<40x128xf32, #tpu.memory_space<vmem_shared>>
      tpu.enqueue_dma source(%arg14 : memref<40x128xf32, #tpu.memory_space<vmem>>) target(%dma_start3A_94 : memref<40x128xf32, #tpu.memory_space<vmem_shared>>) target_semaphore(%run_scoped3A : memref<!tpu.dma_semaphore, #tpu.memory_space<semaphore_mem>>)
      %dma_wait3A_95 = arith.constant 0 : i32
      %dma_wait3A_96 = tpu.memref_slice %arg22[%add3A_53, %dma_wait3A_95] : memref<10000x128xf32, #tpu.memory_space<vmem_shared>> -> memref<40x128xf32, #tpu.memory_space<vmem_shared>>
      %dma_wait3A_97 = arith.constant 0 : i32
      %dma_wait3A_98 = tpu.memref_slice %arg22[%add3A_53, %dma_wait3A_97] : memref<10000x128xf32, #tpu.memory_space<vmem_shared>> -> memref<40x128xf32, #tpu.memory_space<vmem_shared>>
      tpu.wait_dma2 semaphore(%run_scoped3A : memref<!tpu.dma_semaphore, #tpu.memory_space<semaphore_mem>>) src(%arg14 : memref<40x128xf32, #tpu.memory_space<vmem>>) dst(%dma_wait3A_98 : memref<40x128xf32, #tpu.memory_space<vmem_shared>>)
      tpu.yield
    }) : () -> ()
    %add3A_54 = arith.constant 520 : i32
    %add3A_55 = arith.addi %mul3A_18, %add3A_54 : i32
    "tpu.region"() ({
      %run_scoped3A = tpu.sem_alloc : memref<!tpu.dma_semaphore, #tpu.memory_space<semaphore_mem>>
      %dma_start3A_91 = arith.constant 0 : i32
      %dma_start3A_92 = tpu.memref_slice %arg22[%add3A_55, %dma_start3A_91] : memref<10000x128xf32, #tpu.memory_space<vmem_shared>> -> memref<40x128xf32, #tpu.memory_space<vmem_shared>>
      %dma_start3A_93 = arith.constant 0 : i32
      %dma_start3A_94 = tpu.memref_slice %arg22[%add3A_55, %dma_start3A_93] : memref<10000x128xf32, #tpu.memory_space<vmem_shared>> -> memref<40x128xf32, #tpu.memory_space<vmem_shared>>
      tpu.enqueue_dma source(%arg14 : memref<40x128xf32, #tpu.memory_space<vmem>>) target(%dma_start3A_94 : memref<40x128xf32, #tpu.memory_space<vmem_shared>>) target_semaphore(%run_scoped3A : memref<!tpu.dma_semaphore, #tpu.memory_space<semaphore_mem>>)
      %dma_wait3A_95 = arith.constant 0 : i32
      %dma_wait3A_96 = tpu.memref_slice %arg22[%add3A_55, %dma_wait3A_95] : memref<10000x128xf32, #tpu.memory_space<vmem_shared>> -> memref<40x128xf32, #tpu.memory_space<vmem_shared>>
      %dma_wait3A_97 = arith.constant 0 : i32
      %dma_wait3A_98 = tpu.memref_slice %arg22[%add3A_55, %dma_wait3A_97] : memref<10000x128xf32, #tpu.memory_space<vmem_shared>> -> memref<40x128xf32, #tpu.memory_space<vmem_shared>>
      tpu.wait_dma2 semaphore(%run_scoped3A : memref<!tpu.dma_semaphore, #tpu.memory_space<semaphore_mem>>) src(%arg14 : memref<40x128xf32, #tpu.memory_space<vmem>>) dst(%dma_wait3A_98 : memref<40x128xf32, #tpu.memory_space<vmem_shared>>)
      tpu.yield
    }) : () -> ()
    %add3A_56 = arith.constant 560 : i32
    %add3A_57 = arith.addi %mul3A_18, %add3A_56 : i32
    "tpu.region"() ({
      %run_scoped3A = tpu.sem_alloc : memref<!tpu.dma_semaphore, #tpu.memory_space<semaphore_mem>>
      %dma_start3A_91 = arith.constant 0 : i32
      %dma_start3A_92 = tpu.memref_slice %arg22[%add3A_57, %dma_start3A_91] : memref<10000x128xf32, #tpu.memory_space<vmem_shared>> -> memref<40x128xf32, #tpu.memory_space<vmem_shared>>
      %dma_start3A_93 = arith.constant 0 : i32
      %dma_start3A_94 = tpu.memref_slice %arg22[%add3A_57, %dma_start3A_93] : memref<10000x128xf32, #tpu.memory_space<vmem_shared>> -> memref<40x128xf32, #tpu.memory_space<vmem_shared>>
      tpu.enqueue_dma source(%arg14 : memref<40x128xf32, #tpu.memory_space<vmem>>) target(%dma_start3A_94 : memref<40x128xf32, #tpu.memory_space<vmem_shared>>) target_semaphore(%run_scoped3A : memref<!tpu.dma_semaphore, #tpu.memory_space<semaphore_mem>>)
      %dma_wait3A_95 = arith.constant 0 : i32
      %dma_wait3A_96 = tpu.memref_slice %arg22[%add3A_57, %dma_wait3A_95] : memref<10000x128xf32, #tpu.memory_space<vmem_shared>> -> memref<40x128xf32, #tpu.memory_space<vmem_shared>>
      %dma_wait3A_97 = arith.constant 0 : i32
      %dma_wait3A_98 = tpu.memref_slice %arg22[%add3A_57, %dma_wait3A_97] : memref<10000x128xf32, #tpu.memory_space<vmem_shared>> -> memref<40x128xf32, #tpu.memory_space<vmem_shared>>
      tpu.wait_dma2 semaphore(%run_scoped3A : memref<!tpu.dma_semaphore, #tpu.memory_space<semaphore_mem>>) src(%arg14 : memref<40x128xf32, #tpu.memory_space<vmem>>) dst(%dma_wait3A_98 : memref<40x128xf32, #tpu.memory_space<vmem_shared>>)
      tpu.yield
    }) : () -> ()
    %add3A_58 = arith.constant 600 : i32
    %add3A_59 = arith.addi %mul3A_18, %add3A_58 : i32
    "tpu.region"() ({
      %run_scoped3A = tpu.sem_alloc : memref<!tpu.dma_semaphore, #tpu.memory_space<semaphore_mem>>
      %dma_start3A_91 = arith.constant 0 : i32
      %dma_start3A_92 = arith.constant 0 : i32
      %dma_start3A_93 = tpu.memref_slice %arg14[%dma_start3A_91, %dma_start3A_92] : memref<40x128xf32, #tpu.memory_space<vmem>> -> memref<32x128xf32, #tpu.memory_space<vmem>>
      %dma_start3A_94 = arith.constant 0 : i32
      %dma_start3A_95 = tpu.memref_slice %arg22[%add3A_59, %dma_start3A_94] : memref<10000x128xf32, #tpu.memory_space<vmem_shared>> -> memref<32x128xf32, #tpu.memory_space<vmem_shared>>
      %dma_start3A_96 = arith.constant 0 : i32
      %dma_start3A_97 = tpu.memref_slice %arg22[%add3A_59, %dma_start3A_96] : memref<10000x128xf32, #tpu.memory_space<vmem_shared>> -> memref<32x128xf32, #tpu.memory_space<vmem_shared>>
      %dma_start3A_98 = arith.constant 0 : i32
      %dma_start3A_99 = arith.constant 0 : i32
      %dma_start3A_100 = tpu.memref_slice %arg14[%dma_start3A_98, %dma_start3A_99] : memref<40x128xf32, #tpu.memory_space<vmem>> -> memref<32x128xf32, #tpu.memory_space<vmem>>
      tpu.enqueue_dma source(%dma_start3A_100 : memref<32x128xf32, #tpu.memory_space<vmem>>) target(%dma_start3A_97 : memref<32x128xf32, #tpu.memory_space<vmem_shared>>) target_semaphore(%run_scoped3A : memref<!tpu.dma_semaphore, #tpu.memory_space<semaphore_mem>>)
      %dma_wait3A_101 = arith.constant 0 : i32
      %dma_wait3A_102 = arith.constant 0 : i32
      %dma_wait3A_103 = tpu.memref_slice %arg14[%dma_wait3A_101, %dma_wait3A_102] : memref<40x128xf32, #tpu.memory_space<vmem>> -> memref<32x128xf32, #tpu.memory_space<vmem>>
      %dma_wait3A_104 = arith.constant 0 : i32
      %dma_wait3A_105 = tpu.memref_slice %arg22[%add3A_59, %dma_wait3A_104] : memref<10000x128xf32, #tpu.memory_space<vmem_shared>> -> memref<32x128xf32, #tpu.memory_space<vmem_shared>>
      %dma_wait3A_106 = arith.constant 0 : i32
      %dma_wait3A_107 = tpu.memref_slice %arg22[%add3A_59, %dma_wait3A_106] : memref<10000x128xf32, #tpu.memory_space<vmem_shared>> -> memref<32x128xf32, #tpu.memory_space<vmem_shared>>
      %dma_wait3A_108 = arith.constant 0 : i32
      %dma_wait3A_109 = arith.constant 0 : i32
      %dma_wait3A_110 = tpu.memref_slice %arg14[%dma_wait3A_108, %dma_wait3A_109] : memref<40x128xf32, #tpu.memory_space<vmem>> -> memref<32x128xf32, #tpu.memory_space<vmem>>
      tpu.wait_dma2 semaphore(%run_scoped3A : memref<!tpu.dma_semaphore, #tpu.memory_space<semaphore_mem>>) src(%dma_wait3A_110 : memref<32x128xf32, #tpu.memory_space<vmem>>) dst(%dma_wait3A_107 : memref<32x128xf32, #tpu.memory_space<vmem_shared>>)
      tpu.yield
    }) : () -> ()
    %barrier3A = arith.constant 0 : index
    tpu.barrier barrier_id(%barrier3A)
    %add3A_60 = arith.constant 0 : i32
    %add3A_61 = arith.addi %mul3A_22, %add3A_60 : i32
    %dma_start3A = tpu.memref_slice %arg2[%add3A_61] : memref<320000xi32, #tpu.memory_space<hbm>> -> memref<40xi32, #tpu.memory_space<hbm>>
    %dma_start3A_62 = tpu.memref_slice %arg2[%add3A_61] : memref<320000xi32, #tpu.memory_space<hbm>> -> memref<40xi32, #tpu.memory_space<hbm>>
    tpu.enqueue_dma source(%dma_start3A_62 : memref<40xi32, #tpu.memory_space<hbm>>) target(%arg8 : memref<40xi32, #tpu.memory_space<vmem>>) target_semaphore(%arg27 : memref<!tpu.dma_semaphore, #tpu.memory_space<semaphore_mem>>)
    %dma_start3A_63 = tpu.memref_slice %arg3[%add3A_61] : memref<320000xi32, #tpu.memory_space<hbm>> -> memref<40xi32, #tpu.memory_space<hbm>>
    %dma_start3A_64 = tpu.memref_slice %arg3[%add3A_61] : memref<320000xi32, #tpu.memory_space<hbm>> -> memref<40xi32, #tpu.memory_space<hbm>>
    tpu.enqueue_dma source(%dma_start3A_64 : memref<40xi32, #tpu.memory_space<hbm>>) target(%arg10 : memref<40xi32, #tpu.memory_space<vmem>>) target_semaphore(%arg27 : memref<!tpu.dma_semaphore, #tpu.memory_space<semaphore_mem>>)
    %add3A_65 = arith.constant 0 : i32
    %add3A_66 = arith.addi %mul3A_22, %add3A_65 : i32
    %dma_wait3A = tpu.memref_slice %arg2[%add3A_66] : memref<320000xi32, #tpu.memory_space<hbm>> -> memref<40xi32, #tpu.memory_space<hbm>>
    %dma_wait3A_67 = tpu.memref_slice %arg2[%add3A_66] : memref<320000xi32, #tpu.memory_space<hbm>> -> memref<40xi32, #tpu.memory_space<hbm>>
    tpu.wait_dma2 semaphore(%arg27 : memref<!tpu.dma_semaphore, #tpu.memory_space<semaphore_mem>>) src(%dma_wait3A_67 : memref<40xi32, #tpu.memory_space<hbm>>) dst(%arg8 : memref<40xi32, #tpu.memory_space<vmem>>)
    %dma_wait3A_68 = tpu.memref_slice %arg3[%add3A_66] : memref<320000xi32, #tpu.memory_space<hbm>> -> memref<40xi32, #tpu.memory_space<hbm>>
    %dma_wait3A_69 = tpu.memref_slice %arg3[%add3A_66] : memref<320000xi32, #tpu.memory_space<hbm>> -> memref<40xi32, #tpu.memory_space<hbm>>
    tpu.wait_dma2 semaphore(%arg27 : memref<!tpu.dma_semaphore, #tpu.memory_space<semaphore_mem>>) src(%dma_wait3A_69 : memref<40xi32, #tpu.memory_space<hbm>>) dst(%arg10 : memref<40xi32, #tpu.memory_space<vmem>>)
    %add3A_70 = arith.constant 0 : i32
    %add3A_71 = arith.addi %mul3A_22, %add3A_70 : i32
    %dma_start3A_72 = arith.constant 0 : i32
    %dma_start3A_73 = arith.constant 0 : i32
    %dma_start3A_74 = tpu.memref_slice %arg4[%dma_start3A_72, %dma_start3A_73] : memref<10000x128xf32, #tpu.memory_space<hbm>> -> memref<10000x128xf32, #tpu.memory_space<hbm>>
    tpu.enqueue_indirect_dma source(%dma_start3A_74 : memref<10000x128xf32, #tpu.memory_space<hbm>>) target(%arg14 : memref<40x128xf32, #tpu.memory_space<vmem>>) offsets(%arg8 : memref<40xi32, #tpu.memory_space<vmem>>) semaphore(%arg23 : memref<!tpu.dma_semaphore, #tpu.memory_space<semaphore_mem>>)
    %dma_start3A_75 = arith.constant 0 : i32
    %dma_start3A_76 = arith.constant 0 : i32
    %dma_start3A_77 = tpu.memref_slice %arg5[%dma_start3A_75, %dma_start3A_76] : memref<10000x128xf32, #tpu.memory_space<hbm>> -> memref<10000x128xf32, #tpu.memory_space<hbm>>
    tpu.enqueue_indirect_dma source(%dma_start3A_77 : memref<10000x128xf32, #tpu.memory_space<hbm>>) target(%arg16 : memref<40x128xf32, #tpu.memory_space<vmem>>) offsets(%arg10 : memref<40xi32, #tpu.memory_space<vmem>>) semaphore(%arg23 : memref<!tpu.dma_semaphore, #tpu.memory_space<semaphore_mem>>)
    %scan3A_78 = arith.constant 0 : i32
    %scan3A_79 = arith.constant 0 : i32
    %scan3A_80 = arith.constant 125 : i32
    %scan3A_81 = arith.addi %scan3A_79, %scan3A_80 : i32
    %scan3A_82 = arith.constant 1 : i32
    scf.for %scan3A_91 = %scan3A_79 to %scan3A_81 step %scan3A_82  : i32 {
      %mul3A_92 = arith.constant 2 : i32
      %mul3A_93 = arith.muli %scan3A_91, %mul3A_92 : i32
      %add3A_94 = arith.constant 0 : i32
      %add3A_95 = arith.addi %mul3A_93, %add3A_94 : i32
      %add3A_96 = arith.constant 1 : i32
      %add3A_97 = arith.addi %add3A_95, %add3A_96 : i32
      %lt3A = arith.constant 250 : i32
      %lt3A_98 = arith.cmpi slt, %add3A_97, %lt3A : i32
      %convert_element_type3A = arith.extui %lt3A_98 : i1 to i32
      %cond3A = arith.constant 0 : i32
      %cond3A_99 = arith.cmpi ne, %convert_element_type3A, %cond3A : i32
      scf.if %cond3A_99 {
        %add3A_172 = arith.constant 1 : i32
        %add3A_173 = arith.addi %add3A_95, %add3A_172 : i32
        %mul3A_174 = arith.constant 40 : i32
        %mul3A_175 = arith.muli %add3A_173, %mul3A_174 : i32
        %add3A_176 = arith.addi %mul3A_22, %mul3A_175 : i32
        %dma_start3A_177 = tpu.memref_slice %arg2[%add3A_176] : memref<320000xi32, #tpu.memory_space<hbm>> -> memref<40xi32, #tpu.memory_space<hbm>>
        %dma_start3A_178 = tpu.memref_slice %arg2[%add3A_176] : memref<320000xi32, #tpu.memory_space<hbm>> -> memref<40xi32, #tpu.memory_space<hbm>>
        tpu.enqueue_dma source(%dma_start3A_178 : memref<40xi32, #tpu.memory_space<hbm>>) target(%arg9 : memref<40xi32, #tpu.memory_space<vmem>>) target_semaphore(%arg28 : memref<!tpu.dma_semaphore, #tpu.memory_space<semaphore_mem>>)
        %dma_start3A_179 = tpu.memref_slice %arg3[%add3A_176] : memref<320000xi32, #tpu.memory_space<hbm>> -> memref<40xi32, #tpu.memory_space<hbm>>
        %dma_start3A_180 = tpu.memref_slice %arg3[%add3A_176] : memref<320000xi32, #tpu.memory_space<hbm>> -> memref<40xi32, #tpu.memory_space<hbm>>
        tpu.enqueue_dma source(%dma_start3A_180 : memref<40xi32, #tpu.memory_space<hbm>>) target(%arg11 : memref<40xi32, #tpu.memory_space<vmem>>) target_semaphore(%arg28 : memref<!tpu.dma_semaphore, #tpu.memory_space<semaphore_mem>>)
      } else {
      }
      %ge3A = arith.constant 1 : i32
      %ge3A_100 = arith.cmpi sge, %add3A_95, %ge3A : i32
      %convert_element_type3A_101 = arith.extui %ge3A_100 : i1 to i32
      %cond3A_102 = arith.constant 0 : i32
      %cond3A_103 = arith.cmpi ne, %convert_element_type3A_101, %cond3A_102 : i32
      scf.if %cond3A_103 {
        %sub3A_172 = arith.constant 1 : i32
        %sub3A_173 = arith.subi %add3A_95, %sub3A_172 : i32
        %mul3A_174 = arith.constant 40 : i32
        %mul3A_175 = arith.muli %sub3A_173, %mul3A_174 : i32
        %add3A_176 = arith.addi %mul3A_22, %mul3A_175 : i32
        %dma_wait3A_177 = arith.constant 0 : i32
        %dma_wait3A_178 = tpu.memref_slice %arg6[%add3A_176, %dma_wait3A_177] : memref<320000x128xf32, #tpu.memory_space<hbm>> -> memref<40x128xf32, #tpu.memory_space<hbm>>
        %dma_wait3A_179 = arith.constant 0 : i32
        %dma_wait3A_180 = tpu.memref_slice %arg6[%add3A_176, %dma_wait3A_179] : memref<320000x128xf32, #tpu.memory_space<hbm>> -> memref<40x128xf32, #tpu.memory_space<hbm>>
        tpu.wait_dma2 semaphore(%arg26 : memref<!tpu.dma_semaphore, #tpu.memory_space<semaphore_mem>>) src(%arg19 : memref<40x128xf32, #tpu.memory_space<vmem>>) dst(%dma_wait3A_180 : memref<40x128xf32, #tpu.memory_space<hbm>>)
      } else {
      }
      %dma_wait3A_104 = arith.constant 0 : i32
      %dma_wait3A_105 = arith.constant 0 : i32
      %dma_wait3A_106 = tpu.memref_slice %arg4[%dma_wait3A_104, %dma_wait3A_105] : memref<10000x128xf32, #tpu.memory_space<hbm>> -> memref<10000x128xf32, #tpu.memory_space<hbm>>
      tpu.wait_indirect_dma semaphore(%arg23 : memref<!tpu.dma_semaphore, #tpu.memory_space<semaphore_mem>>) src(%dma_wait3A_106 : memref<10000x128xf32, #tpu.memory_space<hbm>>) dst(%arg14 : memref<40x128xf32, #tpu.memory_space<vmem>>)
      %dma_wait3A_107 = arith.constant 0 : i32
      %dma_wait3A_108 = arith.constant 0 : i32
      %dma_wait3A_109 = tpu.memref_slice %arg5[%dma_wait3A_107, %dma_wait3A_108] : memref<10000x128xf32, #tpu.memory_space<hbm>> -> memref<10000x128xf32, #tpu.memory_space<hbm>>
      tpu.wait_indirect_dma semaphore(%arg23 : memref<!tpu.dma_semaphore, #tpu.memory_space<semaphore_mem>>) src(%dma_wait3A_109 : memref<10000x128xf32, #tpu.memory_space<hbm>>) dst(%arg16 : memref<40x128xf32, #tpu.memory_space<vmem>>)
      %add3A_110 = arith.constant 1 : i32
      %add3A_111 = arith.addi %add3A_95, %add3A_110 : i32
      %lt3A_112 = arith.constant 250 : i32
      %lt3A_113 = arith.cmpi slt, %add3A_111, %lt3A_112 : i32
      %convert_element_type3A_114 = arith.extui %lt3A_113 : i1 to i32
      %cond3A_115 = arith.constant 0 : i32
      %cond3A_116 = arith.cmpi ne, %convert_element_type3A_114, %cond3A_115 : i32
      scf.if %cond3A_116 {
        %add3A_172 = arith.constant 1 : i32
        %add3A_173 = arith.addi %add3A_95, %add3A_172 : i32
        %mul3A_174 = arith.constant 40 : i32
        %mul3A_175 = arith.muli %add3A_173, %mul3A_174 : i32
        %add3A_176 = arith.addi %mul3A_22, %mul3A_175 : i32
        %dma_wait3A_177 = tpu.memref_slice %arg2[%add3A_176] : memref<320000xi32, #tpu.memory_space<hbm>> -> memref<40xi32, #tpu.memory_space<hbm>>
        %dma_wait3A_178 = tpu.memref_slice %arg2[%add3A_176] : memref<320000xi32, #tpu.memory_space<hbm>> -> memref<40xi32, #tpu.memory_space<hbm>>
        tpu.wait_dma2 semaphore(%arg28 : memref<!tpu.dma_semaphore, #tpu.memory_space<semaphore_mem>>) src(%dma_wait3A_178 : memref<40xi32, #tpu.memory_space<hbm>>) dst(%arg9 : memref<40xi32, #tpu.memory_space<vmem>>)
        %dma_wait3A_179 = tpu.memref_slice %arg3[%add3A_176] : memref<320000xi32, #tpu.memory_space<hbm>> -> memref<40xi32, #tpu.memory_space<hbm>>
        %dma_wait3A_180 = tpu.memref_slice %arg3[%add3A_176] : memref<320000xi32, #tpu.memory_space<hbm>> -> memref<40xi32, #tpu.memory_space<hbm>>
        tpu.wait_dma2 semaphore(%arg28 : memref<!tpu.dma_semaphore, #tpu.memory_space<semaphore_mem>>) src(%dma_wait3A_180 : memref<40xi32, #tpu.memory_space<hbm>>) dst(%arg11 : memref<40xi32, #tpu.memory_space<vmem>>)
        %add3A_181 = arith.constant 1 : i32
        %add3A_182 = arith.addi %add3A_95, %add3A_181 : i32
        %mul3A_183 = arith.constant 40 : i32
        %mul3A_184 = arith.muli %add3A_182, %mul3A_183 : i32
        %add3A_185 = arith.addi %mul3A_22, %mul3A_184 : i32
        %dma_start3A_186 = arith.constant 0 : i32
        %dma_start3A_187 = arith.constant 0 : i32
        %dma_start3A_188 = tpu.memref_slice %arg4[%dma_start3A_186, %dma_start3A_187] : memref<10000x128xf32, #tpu.memory_space<hbm>> -> memref<10000x128xf32, #tpu.memory_space<hbm>>
        tpu.enqueue_indirect_dma source(%dma_start3A_188 : memref<10000x128xf32, #tpu.memory_space<hbm>>) target(%arg15 : memref<40x128xf32, #tpu.memory_space<vmem>>) offsets(%arg9 : memref<40xi32, #tpu.memory_space<vmem>>) semaphore(%arg24 : memref<!tpu.dma_semaphore, #tpu.memory_space<semaphore_mem>>)
        %dma_start3A_189 = arith.constant 0 : i32
        %dma_start3A_190 = arith.constant 0 : i32
        %dma_start3A_191 = tpu.memref_slice %arg5[%dma_start3A_189, %dma_start3A_190] : memref<10000x128xf32, #tpu.memory_space<hbm>> -> memref<10000x128xf32, #tpu.memory_space<hbm>>
        tpu.enqueue_indirect_dma source(%dma_start3A_191 : memref<10000x128xf32, #tpu.memory_space<hbm>>) target(%arg17 : memref<40x128xf32, #tpu.memory_space<vmem>>) offsets(%arg11 : memref<40xi32, #tpu.memory_space<vmem>>) semaphore(%arg24 : memref<!tpu.dma_semaphore, #tpu.memory_space<semaphore_mem>>)
      } else {
      }
      %scan3A_117 = arith.constant 0 : i32
      %scan3A_118 = arith.constant 0 : i32
      %scan3A_119 = arith.constant 40 : i32
      %scan3A_120 = arith.addi %scan3A_118, %scan3A_119 : i32
      %scan3A_121 = arith.constant 1 : i32
      scf.for %scan3A_172 = %scan3A_118 to %scan3A_120 step %scan3A_121  : i32 {
        %get3A = arith.index_cast %scan3A_172 : i32 to index
        %get3A_173 = arith.constant 0 : index
        %get3A_174 = tpu.vector_load %arg14[%get3A, %get3A_173] {strides = array<i32>} : memref<40x128xf32, #tpu.memory_space<vmem>>, vector<1x16xf32>,
        %get3A_175 = vector.shape_cast %get3A_174 : vector<1x16xf32> to vector<16xf32>
        %get3A_176 = arith.index_cast %scan3A_172 : i32 to index
        %get3A_177 = arith.constant 0 : index
        %get3A_178 = tpu.vector_load %arg16[%get3A_176, %get3A_177] {strides = array<i32>} : memref<40x128xf32, #tpu.memory_space<vmem>>, vector<1x16xf32>,
        %get3A_179 = vector.shape_cast %get3A_178 : vector<1x16xf32> to vector<16xf32>
        %add3A_180 = arith.addf %get3A_175, %get3A_179 : vector<16xf32>
        %swap3A = arith.index_cast %scan3A_172 : i32 to index
        %swap3A_181 = arith.constant 0 : index
        %swap3A_182 = tpu.vector_load %arg18[%swap3A, %swap3A_181] {strides = array<i32>} : memref<40x128xf32, #tpu.memory_space<vmem>>, vector<1x16xf32>,
        %swap3A_183 = vector.shape_cast %swap3A_182 : vector<1x16xf32> to vector<16xf32>
        %swap3A_184 = vector.shape_cast %add3A_180 : vector<16xf32> to vector<1x16xf32>
        tpu.vector_store %arg18[%swap3A, %swap3A_181], %swap3A_184 {strides = array<i32>} : memref<40x128xf32, #tpu.memory_space<vmem>>, vector<1x16xf32>,
        %neg3A = arith.constant 0.000000e+00 : f32
        %neg3A_185 = vector.broadcast %neg3A : f32 to vector<16xf32>
        %neg3A_186 = arith.subf %neg3A_185, %add3A_180 : vector<16xf32>
        %exp3A = math.exp %neg3A_186 : vector<16xf32>
        %add3A_187 = arith.constant 1.000000e+00 : f32
        %add3A_188 = vector.broadcast %add3A_187 : f32 to vector<16xf32>
        %add3A_189 = arith.addf %add3A_188, %exp3A : vector<16xf32>
        %div3A_190 = arith.constant 1.000000e+00 : f32
        %div3A_191 = vector.broadcast %div3A_190 : f32 to vector<16xf32>
        %div3A_192 = arith.divf %div3A_191, %add3A_189 : vector<16xf32>
        %swap3A_193 = arith.index_cast %scan3A_172 : i32 to index
        %swap3A_194 = arith.constant 0 : index
        %swap3A_195 = tpu.vector_load %arg20[%swap3A_193, %swap3A_194] {strides = array<i32>} : memref<40x128xf32, #tpu.memory_space<vmem>>, vector<1x16xf32>,
        %swap3A_196 = vector.shape_cast %swap3A_195 : vector<1x16xf32> to vector<16xf32>
        %swap3A_197 = vector.shape_cast %div3A_192 : vector<16xf32> to vector<1x16xf32>
        tpu.vector_store %arg20[%swap3A_193, %swap3A_194], %swap3A_197 {strides = array<i32>} : memref<40x128xf32, #tpu.memory_space<vmem>>, vector<1x16xf32>,
        %get3A_198 = arith.index_cast %scan3A_172 : i32 to index
        %get3A_199 = arith.constant 16 : index
        %get3A_200 = tpu.vector_load %arg14[%get3A_198, %get3A_199] {strides = array<i32>} : memref<40x128xf32, #tpu.memory_space<vmem>>, vector<1x16xf32>,
        %get3A_201 = vector.shape_cast %get3A_200 : vector<1x16xf32> to vector<16xf32>
        %get3A_202 = arith.index_cast %scan3A_172 : i32 to index
        %get3A_203 = arith.constant 16 : index
        %get3A_204 = tpu.vector_load %arg16[%get3A_202, %get3A_203] {strides = array<i32>} : memref<40x128xf32, #tpu.memory_space<vmem>>, vector<1x16xf32>,
        %get3A_205 = vector.shape_cast %get3A_204 : vector<1x16xf32> to vector<16xf32>
        %add3A_206 = arith.addf %get3A_201, %get3A_205 : vector<16xf32>
        %swap3A_207 = arith.index_cast %scan3A_172 : i32 to index
        %swap3A_208 = arith.constant 16 : index
        %swap3A_209 = tpu.vector_load %arg18[%swap3A_207, %swap3A_208] {strides = array<i32>} : memref<40x128xf32, #tpu.memory_space<vmem>>, vector<1x16xf32>,
        %swap3A_210 = vector.shape_cast %swap3A_209 : vector<1x16xf32> to vector<16xf32>
        %swap3A_211 = vector.shape_cast %add3A_206 : vector<16xf32> to vector<1x16xf32>
        tpu.vector_store %arg18[%swap3A_207, %swap3A_208], %swap3A_211 {strides = array<i32>} : memref<40x128xf32, #tpu.memory_space<vmem>>, vector<1x16xf32>,
        %neg3A_212 = arith.constant 0.000000e+00 : f32
        %neg3A_213 = vector.broadcast %neg3A_212 : f32 to vector<16xf32>
        %neg3A_214 = arith.subf %neg3A_213, %add3A_206 : vector<16xf32>
        %exp3A_215 = math.exp %neg3A_214 : vector<16xf32>
        %add3A_216 = arith.constant 1.000000e+00 : f32
        %add3A_217 = vector.broadcast %add3A_216 : f32 to vector<16xf32>
        %add3A_218 = arith.addf %add3A_217, %exp3A_215 : vector<16xf32>
        %div3A_219 = arith.constant 1.000000e+00 : f32
        %div3A_220 = vector.broadcast %div3A_219 : f32 to vector<16xf32>
        %div3A_221 = arith.divf %div3A_220, %add3A_218 : vector<16xf32>
        %swap3A_222 = arith.index_cast %scan3A_172 : i32 to index
        %swap3A_223 = arith.constant 16 : index
        %swap3A_224 = tpu.vector_load %arg20[%swap3A_222, %swap3A_223] {strides = array<i32>} : memref<40x128xf32, #tpu.memory_space<vmem>>, vector<1x16xf32>,
        %swap3A_225 = vector.shape_cast %swap3A_224 : vector<1x16xf32> to vector<16xf32>
        %swap3A_226 = vector.shape_cast %div3A_221 : vector<16xf32> to vector<1x16xf32>
        tpu.vector_store %arg20[%swap3A_222, %swap3A_223], %swap3A_226 {strides = array<i32>} : memref<40x128xf32, #tpu.memory_space<vmem>>, vector<1x16xf32>,
        %get3A_227 = arith.index_cast %scan3A_172 : i32 to index
        %get3A_228 = arith.constant 32 : index
        %get3A_229 = tpu.vector_load %arg14[%get3A_227, %get3A_228] {strides = array<i32>} : memref<40x128xf32, #tpu.memory_space<vmem>>, vector<1x16xf32>,
        %get3A_230 = vector.shape_cast %get3A_229 : vector<1x16xf32> to vector<16xf32>
        %get3A_231 = arith.index_cast %scan3A_172 : i32 to index
        %get3A_232 = arith.constant 32 : index
        %get3A_233 = tpu.vector_load %arg16[%get3A_231, %get3A_232] {strides = array<i32>} : memref<40x128xf32, #tpu.memory_space<vmem>>, vector<1x16xf32>,
        %get3A_234 = vector.shape_cast %get3A_233 : vector<1x16xf32> to vector<16xf32>
        %add3A_235 = arith.addf %get3A_230, %get3A_234 : vector<16xf32>
        %swap3A_236 = arith.index_cast %scan3A_172 : i32 to index
        %swap3A_237 = arith.constant 32 : index
        %swap3A_238 = tpu.vector_load %arg18[%swap3A_236, %swap3A_237] {strides = array<i32>} : memref<40x128xf32, #tpu.memory_space<vmem>>, vector<1x16xf32>,
        %swap3A_239 = vector.shape_cast %swap3A_238 : vector<1x16xf32> to vector<16xf32>
        %swap3A_240 = vector.shape_cast %add3A_235 : vector<16xf32> to vector<1x16xf32>
        tpu.vector_store %arg18[%swap3A_236, %swap3A_237], %swap3A_240 {strides = array<i32>} : memref<40x128xf32, #tpu.memory_space<vmem>>, vector<1x16xf32>,
        %neg3A_241 = arith.constant 0.000000e+00 : f32
        %neg3A_242 = vector.broadcast %neg3A_241 : f32 to vector<16xf32>
        %neg3A_243 = arith.subf %neg3A_242, %add3A_235 : vector<16xf32>
        %exp3A_244 = math.exp %neg3A_243 : vector<16xf32>
        %add3A_245 = arith.constant 1.000000e+00 : f32
        %add3A_246 = vector.broadcast %add3A_245 : f32 to vector<16xf32>
        %add3A_247 = arith.addf %add3A_246, %exp3A_244 : vector<16xf32>
        %div3A_248 = arith.constant 1.000000e+00 : f32
        %div3A_249 = vector.broadcast %div3A_248 : f32 to vector<16xf32>
        %div3A_250 = arith.divf %div3A_249, %add3A_247 : vector<16xf32>
        %swap3A_251 = arith.index_cast %scan3A_172 : i32 to index
        %swap3A_252 = arith.constant 32 : index
        %swap3A_253 = tpu.vector_load %arg20[%swap3A_251, %swap3A_252] {strides = array<i32>} : memref<40x128xf32, #tpu.memory_space<vmem>>, vector<1x16xf32>,
        %swap3A_254 = vector.shape_cast %swap3A_253 : vector<1x16xf32> to vector<16xf32>
        %swap3A_255 = vector.shape_cast %div3A_250 : vector<16xf32> to vector<1x16xf32>
        tpu.vector_store %arg20[%swap3A_251, %swap3A_252], %swap3A_255 {strides = array<i32>} : memref<40x128xf32, #tpu.memory_space<vmem>>, vector<1x16xf32>,
        %get3A_256 = arith.index_cast %scan3A_172 : i32 to index
        %get3A_257 = arith.constant 48 : index
        %get3A_258 = tpu.vector_load %arg14[%get3A_256, %get3A_257] {strides = array<i32>} : memref<40x128xf32, #tpu.memory_space<vmem>>, vector<1x16xf32>,
        %get3A_259 = vector.shape_cast %get3A_258 : vector<1x16xf32> to vector<16xf32>
        %get3A_260 = arith.index_cast %scan3A_172 : i32 to index
        %get3A_261 = arith.constant 48 : index
        %get3A_262 = tpu.vector_load %arg16[%get3A_260, %get3A_261] {strides = array<i32>} : memref<40x128xf32, #tpu.memory_space<vmem>>, vector<1x16xf32>,
        %get3A_263 = vector.shape_cast %get3A_262 : vector<1x16xf32> to vector<16xf32>
        %add3A_264 = arith.addf %get3A_259, %get3A_263 : vector<16xf32>
        %swap3A_265 = arith.index_cast %scan3A_172 : i32 to index
        %swap3A_266 = arith.constant 48 : index
        %swap3A_267 = tpu.vector_load %arg18[%swap3A_265, %swap3A_266] {strides = array<i32>} : memref<40x128xf32, #tpu.memory_space<vmem>>, vector<1x16xf32>,
        %swap3A_268 = vector.shape_cast %swap3A_267 : vector<1x16xf32> to vector<16xf32>
        %swap3A_269 = vector.shape_cast %add3A_264 : vector<16xf32> to vector<1x16xf32>
        tpu.vector_store %arg18[%swap3A_265, %swap3A_266], %swap3A_269 {strides = array<i32>} : memref<40x128xf32, #tpu.memory_space<vmem>>, vector<1x16xf32>,
        %neg3A_270 = arith.constant 0.000000e+00 : f32
        %neg3A_271 = vector.broadcast %neg3A_270 : f32 to vector<16xf32>
        %neg3A_272 = arith.subf %neg3A_271, %add3A_264 : vector<16xf32>
        %exp3A_273 = math.exp %neg3A_272 : vector<16xf32>
        %add3A_274 = arith.constant 1.000000e+00 : f32
        %add3A_275 = vector.broadcast %add3A_274 : f32 to vector<16xf32>
        %add3A_276 = arith.addf %add3A_275, %exp3A_273 : vector<16xf32>
        %div3A_277 = arith.constant 1.000000e+00 : f32
        %div3A_278 = vector.broadcast %div3A_277 : f32 to vector<16xf32>
        %div3A_279 = arith.divf %div3A_278, %add3A_276 : vector<16xf32>
        %swap3A_280 = arith.index_cast %scan3A_172 : i32 to index
        %swap3A_281 = arith.constant 48 : index
        %swap3A_282 = tpu.vector_load %arg20[%swap3A_280, %swap3A_281] {strides = array<i32>} : memref<40x128xf32, #tpu.memory_space<vmem>>, vector<1x16xf32>,
        %swap3A_283 = vector.shape_cast %swap3A_282 : vector<1x16xf32> to vector<16xf32>
        %swap3A_284 = vector.shape_cast %div3A_279 : vector<16xf32> to vector<1x16xf32>
        tpu.vector_store %arg20[%swap3A_280, %swap3A_281], %swap3A_284 {strides = array<i32>} : memref<40x128xf32, #tpu.memory_space<vmem>>, vector<1x16xf32>,
        %get3A_285 = arith.index_cast %scan3A_172 : i32 to index
        %get3A_286 = arith.constant 64 : index
        %get3A_287 = tpu.vector_load %arg14[%get3A_285, %get3A_286] {strides = array<i32>} : memref<40x128xf32, #tpu.memory_space<vmem>>, vector<1x16xf32>,
        %get3A_288 = vector.shape_cast %get3A_287 : vector<1x16xf32> to vector<16xf32>
        %get3A_289 = arith.index_cast %scan3A_172 : i32 to index
        %get3A_290 = arith.constant 64 : index
        %get3A_291 = tpu.vector_load %arg16[%get3A_289, %get3A_290] {strides = array<i32>} : memref<40x128xf32, #tpu.memory_space<vmem>>, vector<1x16xf32>,
        %get3A_292 = vector.shape_cast %get3A_291 : vector<1x16xf32> to vector<16xf32>
        %add3A_293 = arith.addf %get3A_288, %get3A_292 : vector<16xf32>
        %swap3A_294 = arith.index_cast %scan3A_172 : i32 to index
        %swap3A_295 = arith.constant 64 : index
        %swap3A_296 = tpu.vector_load %arg18[%swap3A_294, %swap3A_295] {strides = array<i32>} : memref<40x128xf32, #tpu.memory_space<vmem>>, vector<1x16xf32>,
        %swap3A_297 = vector.shape_cast %swap3A_296 : vector<1x16xf32> to vector<16xf32>
        %swap3A_298 = vector.shape_cast %add3A_293 : vector<16xf32> to vector<1x16xf32>
        tpu.vector_store %arg18[%swap3A_294, %swap3A_295], %swap3A_298 {strides = array<i32>} : memref<40x128xf32, #tpu.memory_space<vmem>>, vector<1x16xf32>,
        %neg3A_299 = arith.constant 0.000000e+00 : f32
        %neg3A_300 = vector.broadcast %neg3A_299 : f32 to vector<16xf32>
        %neg3A_301 = arith.subf %neg3A_300, %add3A_293 : vector<16xf32>
        %exp3A_302 = math.exp %neg3A_301 : vector<16xf32>
        %add3A_303 = arith.constant 1.000000e+00 : f32
        %add3A_304 = vector.broadcast %add3A_303 : f32 to vector<16xf32>
        %add3A_305 = arith.addf %add3A_304, %exp3A_302 : vector<16xf32>
        %div3A_306 = arith.constant 1.000000e+00 : f32
        %div3A_307 = vector.broadcast %div3A_306 : f32 to vector<16xf32>
        %div3A_308 = arith.divf %div3A_307, %add3A_305 : vector<16xf32>
        %swap3A_309 = arith.index_cast %scan3A_172 : i32 to index
        %swap3A_310 = arith.constant 64 : index
        %swap3A_311 = tpu.vector_load %arg20[%swap3A_309, %swap3A_310] {strides = array<i32>} : memref<40x128xf32, #tpu.memory_space<vmem>>, vector<1x16xf32>,
        %swap3A_312 = vector.shape_cast %swap3A_311 : vector<1x16xf32> to vector<16xf32>
        %swap3A_313 = vector.shape_cast %div3A_308 : vector<16xf32> to vector<1x16xf32>
        tpu.vector_store %arg20[%swap3A_309, %swap3A_310], %swap3A_313 {strides = array<i32>} : memref<40x128xf32, #tpu.memory_space<vmem>>, vector<1x16xf32>,
        %get3A_314 = arith.index_cast %scan3A_172 : i32 to index
        %get3A_315 = arith.constant 80 : index
        %get3A_316 = tpu.vector_load %arg14[%get3A_314, %get3A_315] {strides = array<i32>} : memref<40x128xf32, #tpu.memory_space<vmem>>, vector<1x16xf32>,
        %get3A_317 = vector.shape_cast %get3A_316 : vector<1x16xf32> to vector<16xf32>
        %get3A_318 = arith.index_cast %scan3A_172 : i32 to index
        %get3A_319 = arith.constant 80 : index
        %get3A_320 = tpu.vector_load %arg16[%get3A_318, %get3A_319] {strides = array<i32>} : memref<40x128xf32, #tpu.memory_space<vmem>>, vector<1x16xf32>,
        %get3A_321 = vector.shape_cast %get3A_320 : vector<1x16xf32> to vector<16xf32>
        %add3A_322 = arith.addf %get3A_317, %get3A_321 : vector<16xf32>
        %swap3A_323 = arith.index_cast %scan3A_172 : i32 to index
        %swap3A_324 = arith.constant 80 : index
        %swap3A_325 = tpu.vector_load %arg18[%swap3A_323, %swap3A_324] {strides = array<i32>} : memref<40x128xf32, #tpu.memory_space<vmem>>, vector<1x16xf32>,
        %swap3A_326 = vector.shape_cast %swap3A_325 : vector<1x16xf32> to vector<16xf32>
        %swap3A_327 = vector.shape_cast %add3A_322 : vector<16xf32> to vector<1x16xf32>
        tpu.vector_store %arg18[%swap3A_323, %swap3A_324], %swap3A_327 {strides = array<i32>} : memref<40x128xf32, #tpu.memory_space<vmem>>, vector<1x16xf32>,
        %neg3A_328 = arith.constant 0.000000e+00 : f32
        %neg3A_329 = vector.broadcast %neg3A_328 : f32 to vector<16xf32>
        %neg3A_330 = arith.subf %neg3A_329, %add3A_322 : vector<16xf32>
        %exp3A_331 = math.exp %neg3A_330 : vector<16xf32>
        %add3A_332 = arith.constant 1.000000e+00 : f32
        %add3A_333 = vector.broadcast %add3A_332 : f32 to vector<16xf32>
        %add3A_334 = arith.addf %add3A_333, %exp3A_331 : vector<16xf32>
        %div3A_335 = arith.constant 1.000000e+00 : f32
        %div3A_336 = vector.broadcast %div3A_335 : f32 to vector<16xf32>
        %div3A_337 = arith.divf %div3A_336, %add3A_334 : vector<16xf32>
        %swap3A_338 = arith.index_cast %scan3A_172 : i32 to index
        %swap3A_339 = arith.constant 80 : index
        %swap3A_340 = tpu.vector_load %arg20[%swap3A_338, %swap3A_339] {strides = array<i32>} : memref<40x128xf32, #tpu.memory_space<vmem>>, vector<1x16xf32>,
        %swap3A_341 = vector.shape_cast %swap3A_340 : vector<1x16xf32> to vector<16xf32>
        %swap3A_342 = vector.shape_cast %div3A_337 : vector<16xf32> to vector<1x16xf32>
        tpu.vector_store %arg20[%swap3A_338, %swap3A_339], %swap3A_342 {strides = array<i32>} : memref<40x128xf32, #tpu.memory_space<vmem>>, vector<1x16xf32>,
        %get3A_343 = arith.index_cast %scan3A_172 : i32 to index
        %get3A_344 = arith.constant 96 : index
        %get3A_345 = tpu.vector_load %arg14[%get3A_343, %get3A_344] {strides = array<i32>} : memref<40x128xf32, #tpu.memory_space<vmem>>, vector<1x16xf32>,
        %get3A_346 = vector.shape_cast %get3A_345 : vector<1x16xf32> to vector<16xf32>
        %get3A_347 = arith.index_cast %scan3A_172 : i32 to index
        %get3A_348 = arith.constant 96 : index
        %get3A_349 = tpu.vector_load %arg16[%get3A_347, %get3A_348] {strides = array<i32>} : memref<40x128xf32, #tpu.memory_space<vmem>>, vector<1x16xf32>,
        %get3A_350 = vector.shape_cast %get3A_349 : vector<1x16xf32> to vector<16xf32>
        %add3A_351 = arith.addf %get3A_346, %get3A_350 : vector<16xf32>
        %swap3A_352 = arith.index_cast %scan3A_172 : i32 to index
        %swap3A_353 = arith.constant 96 : index
        %swap3A_354 = tpu.vector_load %arg18[%swap3A_352, %swap3A_353] {strides = array<i32>} : memref<40x128xf32, #tpu.memory_space<vmem>>, vector<1x16xf32>,
        %swap3A_355 = vector.shape_cast %swap3A_354 : vector<1x16xf32> to vector<16xf32>
        %swap3A_356 = vector.shape_cast %add3A_351 : vector<16xf32> to vector<1x16xf32>
        tpu.vector_store %arg18[%swap3A_352, %swap3A_353], %swap3A_356 {strides = array<i32>} : memref<40x128xf32, #tpu.memory_space<vmem>>, vector<1x16xf32>,
        %neg3A_357 = arith.constant 0.000000e+00 : f32
        %neg3A_358 = vector.broadcast %neg3A_357 : f32 to vector<16xf32>
        %neg3A_359 = arith.subf %neg3A_358, %add3A_351 : vector<16xf32>
        %exp3A_360 = math.exp %neg3A_359 : vector<16xf32>
        %add3A_361 = arith.constant 1.000000e+00 : f32
        %add3A_362 = vector.broadcast %add3A_361 : f32 to vector<16xf32>
        %add3A_363 = arith.addf %add3A_362, %exp3A_360 : vector<16xf32>
        %div3A_364 = arith.constant 1.000000e+00 : f32
        %div3A_365 = vector.broadcast %div3A_364 : f32 to vector<16xf32>
        %div3A_366 = arith.divf %div3A_365, %add3A_363 : vector<16xf32>
        %swap3A_367 = arith.index_cast %scan3A_172 : i32 to index
        %swap3A_368 = arith.constant 96 : index
        %swap3A_369 = tpu.vector_load %arg20[%swap3A_367, %swap3A_368] {strides = array<i32>} : memref<40x128xf32, #tpu.memory_space<vmem>>, vector<1x16xf32>,
        %swap3A_370 = vector.shape_cast %swap3A_369 : vector<1x16xf32> to vector<16xf32>
        %swap3A_371 = vector.shape_cast %div3A_366 : vector<16xf32> to vector<1x16xf32>
        tpu.vector_store %arg20[%swap3A_367, %swap3A_368], %swap3A_371 {strides = array<i32>} : memref<40x128xf32, #tpu.memory_space<vmem>>, vector<1x16xf32>,
        %get3A_372 = arith.index_cast %scan3A_172 : i32 to index
        %get3A_373 = arith.constant 112 : index
        %get3A_374 = tpu.vector_load %arg14[%get3A_372, %get3A_373] {strides = array<i32>} : memref<40x128xf32, #tpu.memory_space<vmem>>, vector<1x16xf32>,
        %get3A_375 = vector.shape_cast %get3A_374 : vector<1x16xf32> to vector<16xf32>
        %get3A_376 = arith.index_cast %scan3A_172 : i32 to index
        %get3A_377 = arith.constant 112 : index
        %get3A_378 = tpu.vector_load %arg16[%get3A_376, %get3A_377] {strides = array<i32>} : memref<40x128xf32, #tpu.memory_space<vmem>>, vector<1x16xf32>,
        %get3A_379 = vector.shape_cast %get3A_378 : vector<1x16xf32> to vector<16xf32>
        %add3A_380 = arith.addf %get3A_375, %get3A_379 : vector<16xf32>
        %swap3A_381 = arith.index_cast %scan3A_172 : i32 to index
        %swap3A_382 = arith.constant 112 : index
        %swap3A_383 = tpu.vector_load %arg18[%swap3A_381, %swap3A_382] {strides = array<i32>} : memref<40x128xf32, #tpu.memory_space<vmem>>, vector<1x16xf32>,
        %swap3A_384 = vector.shape_cast %swap3A_383 : vector<1x16xf32> to vector<16xf32>
        %swap3A_385 = vector.shape_cast %add3A_380 : vector<16xf32> to vector<1x16xf32>
        tpu.vector_store %arg18[%swap3A_381, %swap3A_382], %swap3A_385 {strides = array<i32>} : memref<40x128xf32, #tpu.memory_space<vmem>>, vector<1x16xf32>,
        %neg3A_386 = arith.constant 0.000000e+00 : f32
        %neg3A_387 = vector.broadcast %neg3A_386 : f32 to vector<16xf32>
        %neg3A_388 = arith.subf %neg3A_387, %add3A_380 : vector<16xf32>
        %exp3A_389 = math.exp %neg3A_388 : vector<16xf32>
        %add3A_390 = arith.constant 1.000000e+00 : f32
        %add3A_391 = vector.broadcast %add3A_390 : f32 to vector<16xf32>
        %add3A_392 = arith.addf %add3A_391, %exp3A_389 : vector<16xf32>
        %div3A_393 = arith.constant 1.000000e+00 : f32
        %div3A_394 = vector.broadcast %div3A_393 : f32 to vector<16xf32>
        %div3A_395 = arith.divf %div3A_394, %add3A_392 : vector<16xf32>
        %swap3A_396 = arith.index_cast %scan3A_172 : i32 to index
        %swap3A_397 = arith.constant 112 : index
        %swap3A_398 = tpu.vector_load %arg20[%swap3A_396, %swap3A_397] {strides = array<i32>} : memref<40x128xf32, #tpu.memory_space<vmem>>, vector<1x16xf32>,
        %swap3A_399 = vector.shape_cast %swap3A_398 : vector<1x16xf32> to vector<16xf32>
        %swap3A_400 = vector.shape_cast %div3A_395 : vector<16xf32> to vector<1x16xf32>
        tpu.vector_store %arg20[%swap3A_396, %swap3A_397], %swap3A_400 {strides = array<i32>} : memref<40x128xf32, #tpu.memory_space<vmem>>, vector<1x16xf32>,
      }
      %scan3A_122 = arith.constant 40 : i32
      %mul3A_123 = arith.constant 40 : i32
      %mul3A_124 = arith.muli %add3A_95, %mul3A_123 : i32
      %add3A_125 = arith.addi %mul3A_22, %mul3A_124 : i32
      %dma_start3A_126 = arith.constant 0 : i32
      %dma_start3A_127 = tpu.memref_slice %arg6[%add3A_125, %dma_start3A_126] : memref<320000x128xf32, #tpu.memory_space<hbm>> -> memref<40x128xf32, #tpu.memory_space<hbm>>
      %dma_start3A_128 = arith.constant 0 : i32
      %dma_start3A_129 = tpu.memref_slice %arg6[%add3A_125, %dma_start3A_128] : memref<320000x128xf32, #tpu.memory_space<hbm>> -> memref<40x128xf32, #tpu.memory_space<hbm>>
      tpu.enqueue_dma source(%arg18 : memref<40x128xf32, #tpu.memory_space<vmem>>) target(%dma_start3A_129 : memref<40x128xf32, #tpu.memory_space<hbm>>) target_semaphore(%arg25 : memref<!tpu.dma_semaphore, #tpu.memory_space<semaphore_mem>>)
      "tpu.region"() ({
        %run_scoped3A = tpu.sem_alloc : memref<!tpu.dma_semaphore, #tpu.memory_space<semaphore_mem>>
        %dma_start3A_172 = arith.constant 0 : i32
        %dma_start3A_173 = arith.constant 0 : i32
        %dma_start3A_174 = tpu.memref_slice %arg22[%dma_start3A_172, %dma_start3A_173] : memref<10000x128xf32, #tpu.memory_space<vmem_shared>> -> memref<10000x128xf32, #tpu.memory_space<vmem_shared>>
        tpu.enqueue_indirect_dma source(%arg20 : memref<40x128xf32, #tpu.memory_space<vmem>>) target(%dma_start3A_174 : memref<10000x128xf32, #tpu.memory_space<vmem_shared>>) offsets(%arg10 : memref<40xi32, #tpu.memory_space<vmem>>) semaphore(%run_scoped3A : memref<!tpu.dma_semaphore, #tpu.memory_space<semaphore_mem>>) {add = true}
        %dma_wait3A_175 = arith.constant 0 : i32
        %dma_wait3A_176 = arith.constant 0 : i32
        %dma_wait3A_177 = tpu.memref_slice %arg22[%dma_wait3A_175, %dma_wait3A_176] : memref<10000x128xf32, #tpu.memory_space<vmem_shared>> -> memref<10000x128xf32, #tpu.memory_space<vmem_shared>>
        tpu.wait_indirect_dma semaphore(%run_scoped3A : memref<!tpu.dma_semaphore, #tpu.memory_space<semaphore_mem>>) src(%arg20 : memref<40x128xf32, #tpu.memory_space<vmem>>) dst(%dma_wait3A_177 : memref<10000x128xf32, #tpu.memory_space<vmem_shared>>)
        tpu.yield
      }) : () -> ()
      %mul3A_130 = arith.constant 2 : i32
      %mul3A_131 = arith.muli %scan3A_91, %mul3A_130 : i32
      %add3A_132 = arith.constant 1 : i32
      %add3A_133 = arith.addi %mul3A_131, %add3A_132 : i32
      %add3A_134 = arith.constant 1 : i32
      %add3A_135 = arith.addi %add3A_133, %add3A_134 : i32
      %lt3A_136 = arith.constant 250 : i32
      %lt3A_137 = arith.cmpi slt, %add3A_135, %lt3A_136 : i32
      %convert_element_type3A_138 = arith.extui %lt3A_137 : i1 to i32
      %cond3A_139 = arith.constant 0 : i32
      %cond3A_140 = arith.cmpi ne, %convert_element_type3A_138, %cond3A_139 : i32
      scf.if %cond3A_140 {
        %add3A_172 = arith.constant 1 : i32
        %add3A_173 = arith.addi %add3A_133, %add3A_172 : i32
        %mul3A_174 = arith.constant 40 : i32
        %mul3A_175 = arith.muli %add3A_173, %mul3A_174 : i32
        %add3A_176 = arith.addi %mul3A_22, %mul3A_175 : i32
        %dma_start3A_177 = tpu.memref_slice %arg2[%add3A_176] : memref<320000xi32, #tpu.memory_space<hbm>> -> memref<40xi32, #tpu.memory_space<hbm>>
        %dma_start3A_178 = tpu.memref_slice %arg2[%add3A_176] : memref<320000xi32, #tpu.memory_space<hbm>> -> memref<40xi32, #tpu.memory_space<hbm>>
        tpu.enqueue_dma source(%dma_start3A_178 : memref<40xi32, #tpu.memory_space<hbm>>) target(%arg8 : memref<40xi32, #tpu.memory_space<vmem>>) target_semaphore(%arg27 : memref<!tpu.dma_semaphore, #tpu.memory_space<semaphore_mem>>)
        %dma_start3A_179 = tpu.memref_slice %arg3[%add3A_176] : memref<320000xi32, #tpu.memory_space<hbm>> -> memref<40xi32, #tpu.memory_space<hbm>>
        %dma_start3A_180 = tpu.memref_slice %arg3[%add3A_176] : memref<320000xi32, #tpu.memory_space<hbm>> -> memref<40xi32, #tpu.memory_space<hbm>>
        tpu.enqueue_dma source(%dma_start3A_180 : memref<40xi32, #tpu.memory_space<hbm>>) target(%arg10 : memref<40xi32, #tpu.memory_space<vmem>>) target_semaphore(%arg27 : memref<!tpu.dma_semaphore, #tpu.memory_space<semaphore_mem>>)
      } else {
      }
      %ge3A_141 = arith.constant 1 : i32
      %ge3A_142 = arith.cmpi sge, %add3A_133, %ge3A_141 : i32
      %convert_element_type3A_143 = arith.extui %ge3A_142 : i1 to i32
      %cond3A_144 = arith.constant 0 : i32
      %cond3A_145 = arith.cmpi ne, %convert_element_type3A_143, %cond3A_144 : i32
      scf.if %cond3A_145 {
        %sub3A_172 = arith.constant 1 : i32
        %sub3A_173 = arith.subi %add3A_133, %sub3A_172 : i32
        %mul3A_174 = arith.constant 40 : i32
        %mul3A_175 = arith.muli %sub3A_173, %mul3A_174 : i32
        %add3A_176 = arith.addi %mul3A_22, %mul3A_175 : i32
        %dma_wait3A_177 = arith.constant 0 : i32
        %dma_wait3A_178 = tpu.memref_slice %arg6[%add3A_176, %dma_wait3A_177] : memref<320000x128xf32, #tpu.memory_space<hbm>> -> memref<40x128xf32, #tpu.memory_space<hbm>>
        %dma_wait3A_179 = arith.constant 0 : i32
        %dma_wait3A_180 = tpu.memref_slice %arg6[%add3A_176, %dma_wait3A_179] : memref<320000x128xf32, #tpu.memory_space<hbm>> -> memref<40x128xf32, #tpu.memory_space<hbm>>
        tpu.wait_dma2 semaphore(%arg25 : memref<!tpu.dma_semaphore, #tpu.memory_space<semaphore_mem>>) src(%arg18 : memref<40x128xf32, #tpu.memory_space<vmem>>) dst(%dma_wait3A_180 : memref<40x128xf32, #tpu.memory_space<hbm>>)
      } else {
      }
      %dma_wait3A_146 = arith.constant 0 : i32
      %dma_wait3A_147 = arith.constant 0 : i32
      %dma_wait3A_148 = tpu.memref_slice %arg4[%dma_wait3A_146, %dma_wait3A_147] : memref<10000x128xf32, #tpu.memory_space<hbm>> -> memref<10000x128xf32, #tpu.memory_space<hbm>>
      tpu.wait_indirect_dma semaphore(%arg24 : memref<!tpu.dma_semaphore, #tpu.memory_space<semaphore_mem>>) src(%dma_wait3A_148 : memref<10000x128xf32, #tpu.memory_space<hbm>>) dst(%arg15 : memref<40x128xf32, #tpu.memory_space<vmem>>)
      %dma_wait3A_149 = arith.constant 0 : i32
      %dma_wait3A_150 = arith.constant 0 : i32
      %dma_wait3A_151 = tpu.memref_slice %arg5[%dma_wait3A_149, %dma_wait3A_150] : memref<10000x128xf32, #tpu.memory_space<hbm>> -> memref<10000x128xf32, #tpu.memory_space<hbm>>
      tpu.wait_indirect_dma semaphore(%arg24 : memref<!tpu.dma_semaphore, #tpu.memory_space<semaphore_mem>>) src(%dma_wait3A_151 : memref<10000x128xf32, #tpu.memory_space<hbm>>) dst(%arg17 : memref<40x128xf32, #tpu.memory_space<vmem>>)
      %add3A_152 = arith.constant 1 : i32
      %add3A_153 = arith.addi %add3A_133, %add3A_152 : i32
      %lt3A_154 = arith.constant 250 : i32
      %lt3A_155 = arith.cmpi slt, %add3A_153, %lt3A_154 : i32
      %convert_element_type3A_156 = arith.extui %lt3A_155 : i1 to i32
      %cond3A_157 = arith.constant 0 : i32
      %cond3A_158 = arith.cmpi ne, %convert_element_type3A_156, %cond3A_157 : i32
      scf.if %cond3A_158 {
        %add3A_172 = arith.constant 1 : i32
        %add3A_173 = arith.addi %add3A_133, %add3A_172 : i32
        %mul3A_174 = arith.constant 40 : i32
        %mul3A_175 = arith.muli %add3A_173, %mul3A_174 : i32
        %add3A_176 = arith.addi %mul3A_22, %mul3A_175 : i32
        %dma_wait3A_177 = tpu.memref_slice %arg2[%add3A_176] : memref<320000xi32, #tpu.memory_space<hbm>> -> memref<40xi32, #tpu.memory_space<hbm>>
        %dma_wait3A_178 = tpu.memref_slice %arg2[%add3A_176] : memref<320000xi32, #tpu.memory_space<hbm>> -> memref<40xi32, #tpu.memory_space<hbm>>
        tpu.wait_dma2 semaphore(%arg27 : memref<!tpu.dma_semaphore, #tpu.memory_space<semaphore_mem>>) src(%dma_wait3A_178 : memref<40xi32, #tpu.memory_space<hbm>>) dst(%arg8 : memref<40xi32, #tpu.memory_space<vmem>>)
        %dma_wait3A_179 = tpu.memref_slice %arg3[%add3A_176] : memref<320000xi32, #tpu.memory_space<hbm>> -> memref<40xi32, #tpu.memory_space<hbm>>
        %dma_wait3A_180 = tpu.memref_slice %arg3[%add3A_176] : memref<320000xi32, #tpu.memory_space<hbm>> -> memref<40xi32, #tpu.memory_space<hbm>>
        tpu.wait_dma2 semaphore(%arg27 : memref<!tpu.dma_semaphore, #tpu.memory_space<semaphore_mem>>) src(%dma_wait3A_180 : memref<40xi32, #tpu.memory_space<hbm>>) dst(%arg10 : memref<40xi32, #tpu.memory_space<vmem>>)
        %add3A_181 = arith.constant 1 : i32
        %add3A_182 = arith.addi %add3A_133, %add3A_181 : i32
        %mul3A_183 = arith.constant 40 : i32
        %mul3A_184 = arith.muli %add3A_182, %mul3A_183 : i32
        %add3A_185 = arith.addi %mul3A_22, %mul3A_184 : i32
        %dma_start3A_186 = arith.constant 0 : i32
        %dma_start3A_187 = arith.constant 0 : i32
        %dma_start3A_188 = tpu.memref_slice %arg4[%dma_start3A_186, %dma_start3A_187] : memref<10000x128xf32, #tpu.memory_space<hbm>> -> memref<10000x128xf32, #tpu.memory_space<hbm>>
        tpu.enqueue_indirect_dma source(%dma_start3A_188 : memref<10000x128xf32, #tpu.memory_space<hbm>>) target(%arg14 : memref<40x128xf32, #tpu.memory_space<vmem>>) offsets(%arg8 : memref<40xi32, #tpu.memory_space<vmem>>) semaphore(%arg23 : memref<!tpu.dma_semaphore, #tpu.memory_space<semaphore_mem>>)
        %dma_start3A_189 = arith.constant 0 : i32
        %dma_start3A_190 = arith.constant 0 : i32
        %dma_start3A_191 = tpu.memref_slice %arg5[%dma_start3A_189, %dma_start3A_190] : memref<10000x128xf32, #tpu.memory_space<hbm>> -> memref<10000x128xf32, #tpu.memory_space<hbm>>
        tpu.enqueue_indirect_dma source(%dma_start3A_191 : memref<10000x128xf32, #tpu.memory_space<hbm>>) target(%arg16 : memref<40x128xf32, #tpu.memory_space<vmem>>) offsets(%arg10 : memref<40xi32, #tpu.memory_space<vmem>>) semaphore(%arg23 : memref<!tpu.dma_semaphore, #tpu.memory_space<semaphore_mem>>)
      } else {
      }
      %scan3A_159 = arith.constant 0 : i32
      %scan3A_160 = arith.constant 0 : i32
      %scan3A_161 = arith.constant 40 : i32
      %scan3A_162 = arith.addi %scan3A_160, %scan3A_161 : i32
      %scan3A_163 = arith.constant 1 : i32
      scf.for %scan3A_172 = %scan3A_160 to %scan3A_162 step %scan3A_163  : i32 {
        %get3A = arith.index_cast %scan3A_172 : i32 to index
        %get3A_173 = arith.constant 0 : index
        %get3A_174 = tpu.vector_load %arg15[%get3A, %get3A_173] {strides = array<i32>} : memref<40x128xf32, #tpu.memory_space<vmem>>, vector<1x16xf32>,
        %get3A_175 = vector.shape_cast %get3A_174 : vector<1x16xf32> to vector<16xf32>
        %get3A_176 = arith.index_cast %scan3A_172 : i32 to index
        %get3A_177 = arith.constant 0 : index
        %get3A_178 = tpu.vector_load %arg17[%get3A_176, %get3A_177] {strides = array<i32>} : memref<40x128xf32, #tpu.memory_space<vmem>>, vector<1x16xf32>,
        %get3A_179 = vector.shape_cast %get3A_178 : vector<1x16xf32> to vector<16xf32>
        %add3A_180 = arith.addf %get3A_175, %get3A_179 : vector<16xf32>
        %swap3A = arith.index_cast %scan3A_172 : i32 to index
        %swap3A_181 = arith.constant 0 : index
        %swap3A_182 = tpu.vector_load %arg19[%swap3A, %swap3A_181] {strides = array<i32>} : memref<40x128xf32, #tpu.memory_space<vmem>>, vector<1x16xf32>,
        %swap3A_183 = vector.shape_cast %swap3A_182 : vector<1x16xf32> to vector<16xf32>
        %swap3A_184 = vector.shape_cast %add3A_180 : vector<16xf32> to vector<1x16xf32>
        tpu.vector_store %arg19[%swap3A, %swap3A_181], %swap3A_184 {strides = array<i32>} : memref<40x128xf32, #tpu.memory_space<vmem>>, vector<1x16xf32>,
        %neg3A = arith.constant 0.000000e+00 : f32
        %neg3A_185 = vector.broadcast %neg3A : f32 to vector<16xf32>
        %neg3A_186 = arith.subf %neg3A_185, %add3A_180 : vector<16xf32>
        %exp3A = math.exp %neg3A_186 : vector<16xf32>
        %add3A_187 = arith.constant 1.000000e+00 : f32
        %add3A_188 = vector.broadcast %add3A_187 : f32 to vector<16xf32>
        %add3A_189 = arith.addf %add3A_188, %exp3A : vector<16xf32>
        %div3A_190 = arith.constant 1.000000e+00 : f32
        %div3A_191 = vector.broadcast %div3A_190 : f32 to vector<16xf32>
        %div3A_192 = arith.divf %div3A_191, %add3A_189 : vector<16xf32>
        %swap3A_193 = arith.index_cast %scan3A_172 : i32 to index
        %swap3A_194 = arith.constant 0 : index
        %swap3A_195 = tpu.vector_load %arg21[%swap3A_193, %swap3A_194] {strides = array<i32>} : memref<40x128xf32, #tpu.memory_space<vmem>>, vector<1x16xf32>,
        %swap3A_196 = vector.shape_cast %swap3A_195 : vector<1x16xf32> to vector<16xf32>
        %swap3A_197 = vector.shape_cast %div3A_192 : vector<16xf32> to vector<1x16xf32>
        tpu.vector_store %arg21[%swap3A_193, %swap3A_194], %swap3A_197 {strides = array<i32>} : memref<40x128xf32, #tpu.memory_space<vmem>>, vector<1x16xf32>,
        %get3A_198 = arith.index_cast %scan3A_172 : i32 to index
        %get3A_199 = arith.constant 16 : index
        %get3A_200 = tpu.vector_load %arg15[%get3A_198, %get3A_199] {strides = array<i32>} : memref<40x128xf32, #tpu.memory_space<vmem>>, vector<1x16xf32>,
        %get3A_201 = vector.shape_cast %get3A_200 : vector<1x16xf32> to vector<16xf32>
        %get3A_202 = arith.index_cast %scan3A_172 : i32 to index
        %get3A_203 = arith.constant 16 : index
        %get3A_204 = tpu.vector_load %arg17[%get3A_202, %get3A_203] {strides = array<i32>} : memref<40x128xf32, #tpu.memory_space<vmem>>, vector<1x16xf32>,
        %get3A_205 = vector.shape_cast %get3A_204 : vector<1x16xf32> to vector<16xf32>
        %add3A_206 = arith.addf %get3A_201, %get3A_205 : vector<16xf32>
        %swap3A_207 = arith.index_cast %scan3A_172 : i32 to index
        %swap3A_208 = arith.constant 16 : index
        %swap3A_209 = tpu.vector_load %arg19[%swap3A_207, %swap3A_208] {strides = array<i32>} : memref<40x128xf32, #tpu.memory_space<vmem>>, vector<1x16xf32>,
        %swap3A_210 = vector.shape_cast %swap3A_209 : vector<1x16xf32> to vector<16xf32>
        %swap3A_211 = vector.shape_cast %add3A_206 : vector<16xf32> to vector<1x16xf32>
        tpu.vector_store %arg19[%swap3A_207, %swap3A_208], %swap3A_211 {strides = array<i32>} : memref<40x128xf32, #tpu.memory_space<vmem>>, vector<1x16xf32>,
        %neg3A_212 = arith.constant 0.000000e+00 : f32
        %neg3A_213 = vector.broadcast %neg3A_212 : f32 to vector<16xf32>
        %neg3A_214 = arith.subf %neg3A_213, %add3A_206 : vector<16xf32>
        %exp3A_215 = math.exp %neg3A_214 : vector<16xf32>
        %add3A_216 = arith.constant 1.000000e+00 : f32
        %add3A_217 = vector.broadcast %add3A_216 : f32 to vector<16xf32>
        %add3A_218 = arith.addf %add3A_217, %exp3A_215 : vector<16xf32>
        %div3A_219 = arith.constant 1.000000e+00 : f32
        %div3A_220 = vector.broadcast %div3A_219 : f32 to vector<16xf32>
        %div3A_221 = arith.divf %div3A_220, %add3A_218 : vector<16xf32>
        %swap3A_222 = arith.index_cast %scan3A_172 : i32 to index
        %swap3A_223 = arith.constant 16 : index
        %swap3A_224 = tpu.vector_load %arg21[%swap3A_222, %swap3A_223] {strides = array<i32>} : memref<40x128xf32, #tpu.memory_space<vmem>>, vector<1x16xf32>,
        %swap3A_225 = vector.shape_cast %swap3A_224 : vector<1x16xf32> to vector<16xf32>
        %swap3A_226 = vector.shape_cast %div3A_221 : vector<16xf32> to vector<1x16xf32>
        tpu.vector_store %arg21[%swap3A_222, %swap3A_223], %swap3A_226 {strides = array<i32>} : memref<40x128xf32, #tpu.memory_space<vmem>>, vector<1x16xf32>,
        %get3A_227 = arith.index_cast %scan3A_172 : i32 to index
        %get3A_228 = arith.constant 32 : index
        %get3A_229 = tpu.vector_load %arg15[%get3A_227, %get3A_228] {strides = array<i32>} : memref<40x128xf32, #tpu.memory_space<vmem>>, vector<1x16xf32>,
        %get3A_230 = vector.shape_cast %get3A_229 : vector<1x16xf32> to vector<16xf32>
        %get3A_231 = arith.index_cast %scan3A_172 : i32 to index
        %get3A_232 = arith.constant 32 : index
        %get3A_233 = tpu.vector_load %arg17[%get3A_231, %get3A_232] {strides = array<i32>} : memref<40x128xf32, #tpu.memory_space<vmem>>, vector<1x16xf32>,
        %get3A_234 = vector.shape_cast %get3A_233 : vector<1x16xf32> to vector<16xf32>
        %add3A_235 = arith.addf %get3A_230, %get3A_234 : vector<16xf32>
        %swap3A_236 = arith.index_cast %scan3A_172 : i32 to index
        %swap3A_237 = arith.constant 32 : index
        %swap3A_238 = tpu.vector_load %arg19[%swap3A_236, %swap3A_237] {strides = array<i32>} : memref<40x128xf32, #tpu.memory_space<vmem>>, vector<1x16xf32>,
        %swap3A_239 = vector.shape_cast %swap3A_238 : vector<1x16xf32> to vector<16xf32>
        %swap3A_240 = vector.shape_cast %add3A_235 : vector<16xf32> to vector<1x16xf32>
        tpu.vector_store %arg19[%swap3A_236, %swap3A_237], %swap3A_240 {strides = array<i32>} : memref<40x128xf32, #tpu.memory_space<vmem>>, vector<1x16xf32>,
        %neg3A_241 = arith.constant 0.000000e+00 : f32
        %neg3A_242 = vector.broadcast %neg3A_241 : f32 to vector<16xf32>
        %neg3A_243 = arith.subf %neg3A_242, %add3A_235 : vector<16xf32>
        %exp3A_244 = math.exp %neg3A_243 : vector<16xf32>
        %add3A_245 = arith.constant 1.000000e+00 : f32
        %add3A_246 = vector.broadcast %add3A_245 : f32 to vector<16xf32>
        %add3A_247 = arith.addf %add3A_246, %exp3A_244 : vector<16xf32>
        %div3A_248 = arith.constant 1.000000e+00 : f32
        %div3A_249 = vector.broadcast %div3A_248 : f32 to vector<16xf32>
        %div3A_250 = arith.divf %div3A_249, %add3A_247 : vector<16xf32>
        %swap3A_251 = arith.index_cast %scan3A_172 : i32 to index
        %swap3A_252 = arith.constant 32 : index
        %swap3A_253 = tpu.vector_load %arg21[%swap3A_251, %swap3A_252] {strides = array<i32>} : memref<40x128xf32, #tpu.memory_space<vmem>>, vector<1x16xf32>,
        %swap3A_254 = vector.shape_cast %swap3A_253 : vector<1x16xf32> to vector<16xf32>
        %swap3A_255 = vector.shape_cast %div3A_250 : vector<16xf32> to vector<1x16xf32>
        tpu.vector_store %arg21[%swap3A_251, %swap3A_252], %swap3A_255 {strides = array<i32>} : memref<40x128xf32, #tpu.memory_space<vmem>>, vector<1x16xf32>,
        %get3A_256 = arith.index_cast %scan3A_172 : i32 to index
        %get3A_257 = arith.constant 48 : index
        %get3A_258 = tpu.vector_load %arg15[%get3A_256, %get3A_257] {strides = array<i32>} : memref<40x128xf32, #tpu.memory_space<vmem>>, vector<1x16xf32>,
        %get3A_259 = vector.shape_cast %get3A_258 : vector<1x16xf32> to vector<16xf32>
        %get3A_260 = arith.index_cast %scan3A_172 : i32 to index
        %get3A_261 = arith.constant 48 : index
        %get3A_262 = tpu.vector_load %arg17[%get3A_260, %get3A_261] {strides = array<i32>} : memref<40x128xf32, #tpu.memory_space<vmem>>, vector<1x16xf32>,
        %get3A_263 = vector.shape_cast %get3A_262 : vector<1x16xf32> to vector<16xf32>
        %add3A_264 = arith.addf %get3A_259, %get3A_263 : vector<16xf32>
        %swap3A_265 = arith.index_cast %scan3A_172 : i32 to index
        %swap3A_266 = arith.constant 48 : index
        %swap3A_267 = tpu.vector_load %arg19[%swap3A_265, %swap3A_266] {strides = array<i32>} : memref<40x128xf32, #tpu.memory_space<vmem>>, vector<1x16xf32>,
        %swap3A_268 = vector.shape_cast %swap3A_267 : vector<1x16xf32> to vector<16xf32>
        %swap3A_269 = vector.shape_cast %add3A_264 : vector<16xf32> to vector<1x16xf32>
        tpu.vector_store %arg19[%swap3A_265, %swap3A_266], %swap3A_269 {strides = array<i32>} : memref<40x128xf32, #tpu.memory_space<vmem>>, vector<1x16xf32>,
        %neg3A_270 = arith.constant 0.000000e+00 : f32
        %neg3A_271 = vector.broadcast %neg3A_270 : f32 to vector<16xf32>
        %neg3A_272 = arith.subf %neg3A_271, %add3A_264 : vector<16xf32>
        %exp3A_273 = math.exp %neg3A_272 : vector<16xf32>
        %add3A_274 = arith.constant 1.000000e+00 : f32
        %add3A_275 = vector.broadcast %add3A_274 : f32 to vector<16xf32>
        %add3A_276 = arith.addf %add3A_275, %exp3A_273 : vector<16xf32>
        %div3A_277 = arith.constant 1.000000e+00 : f32
        %div3A_278 = vector.broadcast %div3A_277 : f32 to vector<16xf32>
        %div3A_279 = arith.divf %div3A_278, %add3A_276 : vector<16xf32>
        %swap3A_280 = arith.index_cast %scan3A_172 : i32 to index
        %swap3A_281 = arith.constant 48 : index
        %swap3A_282 = tpu.vector_load %arg21[%swap3A_280, %swap3A_281] {strides = array<i32>} : memref<40x128xf32, #tpu.memory_space<vmem>>, vector<1x16xf32>,
        %swap3A_283 = vector.shape_cast %swap3A_282 : vector<1x16xf32> to vector<16xf32>
        %swap3A_284 = vector.shape_cast %div3A_279 : vector<16xf32> to vector<1x16xf32>
        tpu.vector_store %arg21[%swap3A_280, %swap3A_281], %swap3A_284 {strides = array<i32>} : memref<40x128xf32, #tpu.memory_space<vmem>>, vector<1x16xf32>,
        %get3A_285 = arith.index_cast %scan3A_172 : i32 to index
        %get3A_286 = arith.constant 64 : index
        %get3A_287 = tpu.vector_load %arg15[%get3A_285, %get3A_286] {strides = array<i32>} : memref<40x128xf32, #tpu.memory_space<vmem>>, vector<1x16xf32>,
        %get3A_288 = vector.shape_cast %get3A_287 : vector<1x16xf32> to vector<16xf32>
        %get3A_289 = arith.index_cast %scan3A_172 : i32 to index
        %get3A_290 = arith.constant 64 : index
        %get3A_291 = tpu.vector_load %arg17[%get3A_289, %get3A_290] {strides = array<i32>} : memref<40x128xf32, #tpu.memory_space<vmem>>, vector<1x16xf32>,
        %get3A_292 = vector.shape_cast %get3A_291 : vector<1x16xf32> to vector<16xf32>
        %add3A_293 = arith.addf %get3A_288, %get3A_292 : vector<16xf32>
        %swap3A_294 = arith.index_cast %scan3A_172 : i32 to index
        %swap3A_295 = arith.constant 64 : index
        %swap3A_296 = tpu.vector_load %arg19[%swap3A_294, %swap3A_295] {strides = array<i32>} : memref<40x128xf32, #tpu.memory_space<vmem>>, vector<1x16xf32>,
        %swap3A_297 = vector.shape_cast %swap3A_296 : vector<1x16xf32> to vector<16xf32>
        %swap3A_298 = vector.shape_cast %add3A_293 : vector<16xf32> to vector<1x16xf32>
        tpu.vector_store %arg19[%swap3A_294, %swap3A_295], %swap3A_298 {strides = array<i32>} : memref<40x128xf32, #tpu.memory_space<vmem>>, vector<1x16xf32>,
        %neg3A_299 = arith.constant 0.000000e+00 : f32
        %neg3A_300 = vector.broadcast %neg3A_299 : f32 to vector<16xf32>
        %neg3A_301 = arith.subf %neg3A_300, %add3A_293 : vector<16xf32>
        %exp3A_302 = math.exp %neg3A_301 : vector<16xf32>
        %add3A_303 = arith.constant 1.000000e+00 : f32
        %add3A_304 = vector.broadcast %add3A_303 : f32 to vector<16xf32>
        %add3A_305 = arith.addf %add3A_304, %exp3A_302 : vector<16xf32>
        %div3A_306 = arith.constant 1.000000e+00 : f32
        %div3A_307 = vector.broadcast %div3A_306 : f32 to vector<16xf32>
        %div3A_308 = arith.divf %div3A_307, %add3A_305 : vector<16xf32>
        %swap3A_309 = arith.index_cast %scan3A_172 : i32 to index
        %swap3A_310 = arith.constant 64 : index
        %swap3A_311 = tpu.vector_load %arg21[%swap3A_309, %swap3A_310] {strides = array<i32>} : memref<40x128xf32, #tpu.memory_space<vmem>>, vector<1x16xf32>,
        %swap3A_312 = vector.shape_cast %swap3A_311 : vector<1x16xf32> to vector<16xf32>
        %swap3A_313 = vector.shape_cast %div3A_308 : vector<16xf32> to vector<1x16xf32>
        tpu.vector_store %arg21[%swap3A_309, %swap3A_310], %swap3A_313 {strides = array<i32>} : memref<40x128xf32, #tpu.memory_space<vmem>>, vector<1x16xf32>,
        %get3A_314 = arith.index_cast %scan3A_172 : i32 to index
        %get3A_315 = arith.constant 80 : index
        %get3A_316 = tpu.vector_load %arg15[%get3A_314, %get3A_315] {strides = array<i32>} : memref<40x128xf32, #tpu.memory_space<vmem>>, vector<1x16xf32>,
        %get3A_317 = vector.shape_cast %get3A_316 : vector<1x16xf32> to vector<16xf32>
        %get3A_318 = arith.index_cast %scan3A_172 : i32 to index
        %get3A_319 = arith.constant 80 : index
        %get3A_320 = tpu.vector_load %arg17[%get3A_318, %get3A_319] {strides = array<i32>} : memref<40x128xf32, #tpu.memory_space<vmem>>, vector<1x16xf32>,
        %get3A_321 = vector.shape_cast %get3A_320 : vector<1x16xf32> to vector<16xf32>
        %add3A_322 = arith.addf %get3A_317, %get3A_321 : vector<16xf32>
        %swap3A_323 = arith.index_cast %scan3A_172 : i32 to index
        %swap3A_324 = arith.constant 80 : index
        %swap3A_325 = tpu.vector_load %arg19[%swap3A_323, %swap3A_324] {strides = array<i32>} : memref<40x128xf32, #tpu.memory_space<vmem>>, vector<1x16xf32>,
        %swap3A_326 = vector.shape_cast %swap3A_325 : vector<1x16xf32> to vector<16xf32>
        %swap3A_327 = vector.shape_cast %add3A_322 : vector<16xf32> to vector<1x16xf32>
        tpu.vector_store %arg19[%swap3A_323, %swap3A_324], %swap3A_327 {strides = array<i32>} : memref<40x128xf32, #tpu.memory_space<vmem>>, vector<1x16xf32>,
        %neg3A_328 = arith.constant 0.000000e+00 : f32
        %neg3A_329 = vector.broadcast %neg3A_328 : f32 to vector<16xf32>
        %neg3A_330 = arith.subf %neg3A_329, %add3A_322 : vector<16xf32>
        %exp3A_331 = math.exp %neg3A_330 : vector<16xf32>
        %add3A_332 = arith.constant 1.000000e+00 : f32
        %add3A_333 = vector.broadcast %add3A_332 : f32 to vector<16xf32>
        %add3A_334 = arith.addf %add3A_333, %exp3A_331 : vector<16xf32>
        %div3A_335 = arith.constant 1.000000e+00 : f32
        %div3A_336 = vector.broadcast %div3A_335 : f32 to vector<16xf32>
        %div3A_337 = arith.divf %div3A_336, %add3A_334 : vector<16xf32>
        %swap3A_338 = arith.index_cast %scan3A_172 : i32 to index
        %swap3A_339 = arith.constant 80 : index
        %swap3A_340 = tpu.vector_load %arg21[%swap3A_338, %swap3A_339] {strides = array<i32>} : memref<40x128xf32, #tpu.memory_space<vmem>>, vector<1x16xf32>,
        %swap3A_341 = vector.shape_cast %swap3A_340 : vector<1x16xf32> to vector<16xf32>
        %swap3A_342 = vector.shape_cast %div3A_337 : vector<16xf32> to vector<1x16xf32>
        tpu.vector_store %arg21[%swap3A_338, %swap3A_339], %swap3A_342 {strides = array<i32>} : memref<40x128xf32, #tpu.memory_space<vmem>>, vector<1x16xf32>,
        %get3A_343 = arith.index_cast %scan3A_172 : i32 to index
        %get3A_344 = arith.constant 96 : index
        %get3A_345 = tpu.vector_load %arg15[%get3A_343, %get3A_344] {strides = array<i32>} : memref<40x128xf32, #tpu.memory_space<vmem>>, vector<1x16xf32>,
        %get3A_346 = vector.shape_cast %get3A_345 : vector<1x16xf32> to vector<16xf32>
        %get3A_347 = arith.index_cast %scan3A_172 : i32 to index
        %get3A_348 = arith.constant 96 : index
        %get3A_349 = tpu.vector_load %arg17[%get3A_347, %get3A_348] {strides = array<i32>} : memref<40x128xf32, #tpu.memory_space<vmem>>, vector<1x16xf32>,
        %get3A_350 = vector.shape_cast %get3A_349 : vector<1x16xf32> to vector<16xf32>
        %add3A_351 = arith.addf %get3A_346, %get3A_350 : vector<16xf32>
        %swap3A_352 = arith.index_cast %scan3A_172 : i32 to index
        %swap3A_353 = arith.constant 96 : index
        %swap3A_354 = tpu.vector_load %arg19[%swap3A_352, %swap3A_353] {strides = array<i32>} : memref<40x128xf32, #tpu.memory_space<vmem>>, vector<1x16xf32>,
        %swap3A_355 = vector.shape_cast %swap3A_354 : vector<1x16xf32> to vector<16xf32>
        %swap3A_356 = vector.shape_cast %add3A_351 : vector<16xf32> to vector<1x16xf32>
        tpu.vector_store %arg19[%swap3A_352, %swap3A_353], %swap3A_356 {strides = array<i32>} : memref<40x128xf32, #tpu.memory_space<vmem>>, vector<1x16xf32>,
        %neg3A_357 = arith.constant 0.000000e+00 : f32
        %neg3A_358 = vector.broadcast %neg3A_357 : f32 to vector<16xf32>
        %neg3A_359 = arith.subf %neg3A_358, %add3A_351 : vector<16xf32>
        %exp3A_360 = math.exp %neg3A_359 : vector<16xf32>
        %add3A_361 = arith.constant 1.000000e+00 : f32
        %add3A_362 = vector.broadcast %add3A_361 : f32 to vector<16xf32>
        %add3A_363 = arith.addf %add3A_362, %exp3A_360 : vector<16xf32>
        %div3A_364 = arith.constant 1.000000e+00 : f32
        %div3A_365 = vector.broadcast %div3A_364 : f32 to vector<16xf32>
        %div3A_366 = arith.divf %div3A_365, %add3A_363 : vector<16xf32>
        %swap3A_367 = arith.index_cast %scan3A_172 : i32 to index
        %swap3A_368 = arith.constant 96 : index
        %swap3A_369 = tpu.vector_load %arg21[%swap3A_367, %swap3A_368] {strides = array<i32>} : memref<40x128xf32, #tpu.memory_space<vmem>>, vector<1x16xf32>,
        %swap3A_370 = vector.shape_cast %swap3A_369 : vector<1x16xf32> to vector<16xf32>
        %swap3A_371 = vector.shape_cast %div3A_366 : vector<16xf32> to vector<1x16xf32>
        tpu.vector_store %arg21[%swap3A_367, %swap3A_368], %swap3A_371 {strides = array<i32>} : memref<40x128xf32, #tpu.memory_space<vmem>>, vector<1x16xf32>,
        %get3A_372 = arith.index_cast %scan3A_172 : i32 to index
        %get3A_373 = arith.constant 112 : index
        %get3A_374 = tpu.vector_load %arg15[%get3A_372, %get3A_373] {strides = array<i32>} : memref<40x128xf32, #tpu.memory_space<vmem>>, vector<1x16xf32>,
        %get3A_375 = vector.shape_cast %get3A_374 : vector<1x16xf32> to vector<16xf32>
        %get3A_376 = arith.index_cast %scan3A_172 : i32 to index
        %get3A_377 = arith.constant 112 : index
        %get3A_378 = tpu.vector_load %arg17[%get3A_376, %get3A_377] {strides = array<i32>} : memref<40x128xf32, #tpu.memory_space<vmem>>, vector<1x16xf32>,
        %get3A_379 = vector.shape_cast %get3A_378 : vector<1x16xf32> to vector<16xf32>
        %add3A_380 = arith.addf %get3A_375, %get3A_379 : vector<16xf32>
        %swap3A_381 = arith.index_cast %scan3A_172 : i32 to index
        %swap3A_382 = arith.constant 112 : index
        %swap3A_383 = tpu.vector_load %arg19[%swap3A_381, %swap3A_382] {strides = array<i32>} : memref<40x128xf32, #tpu.memory_space<vmem>>, vector<1x16xf32>,
        %swap3A_384 = vector.shape_cast %swap3A_383 : vector<1x16xf32> to vector<16xf32>
        %swap3A_385 = vector.shape_cast %add3A_380 : vector<16xf32> to vector<1x16xf32>
        tpu.vector_store %arg19[%swap3A_381, %swap3A_382], %swap3A_385 {strides = array<i32>} : memref<40x128xf32, #tpu.memory_space<vmem>>, vector<1x16xf32>,
        %neg3A_386 = arith.constant 0.000000e+00 : f32
        %neg3A_387 = vector.broadcast %neg3A_386 : f32 to vector<16xf32>
        %neg3A_388 = arith.subf %neg3A_387, %add3A_380 : vector<16xf32>
        %exp3A_389 = math.exp %neg3A_388 : vector<16xf32>
        %add3A_390 = arith.constant 1.000000e+00 : f32
        %add3A_391 = vector.broadcast %add3A_390 : f32 to vector<16xf32>
        %add3A_392 = arith.addf %add3A_391, %exp3A_389 : vector<16xf32>
        %div3A_393 = arith.constant 1.000000e+00 : f32
        %div3A_394 = vector.broadcast %div3A_393 : f32 to vector<16xf32>
        %div3A_395 = arith.divf %div3A_394, %add3A_392 : vector<16xf32>
        %swap3A_396 = arith.index_cast %scan3A_172 : i32 to index
        %swap3A_397 = arith.constant 112 : index
        %swap3A_398 = tpu.vector_load %arg21[%swap3A_396, %swap3A_397] {strides = array<i32>} : memref<40x128xf32, #tpu.memory_space<vmem>>, vector<1x16xf32>,
        %swap3A_399 = vector.shape_cast %swap3A_398 : vector<1x16xf32> to vector<16xf32>
        %swap3A_400 = vector.shape_cast %div3A_395 : vector<16xf32> to vector<1x16xf32>
        tpu.vector_store %arg21[%swap3A_396, %swap3A_397], %swap3A_400 {strides = array<i32>} : memref<40x128xf32, #tpu.memory_space<vmem>>, vector<1x16xf32>,
      }
      %scan3A_164 = arith.constant 40 : i32
      %mul3A_165 = arith.constant 40 : i32
      %mul3A_166 = arith.muli %add3A_133, %mul3A_165 : i32
      %add3A_167 = arith.addi %mul3A_22, %mul3A_166 : i32
      %dma_start3A_168 = arith.constant 0 : i32
      %dma_start3A_169 = tpu.memref_slice %arg6[%add3A_167, %dma_start3A_168] : memref<320000x128xf32, #tpu.memory_space<hbm>> -> memref<40x128xf32, #tpu.memory_space<hbm>>
      %dma_start3A_170 = arith.constant 0 : i32
      %dma_start3A_171 = tpu.memref_slice %arg6[%add3A_167, %dma_start3A_170] : memref<320000x128xf32, #tpu.memory_space<hbm>> -> memref<40x128xf32, #tpu.memory_space<hbm>>
      tpu.enqueue_dma source(%arg19 : memref<40x128xf32, #tpu.memory_space<vmem>>) target(%dma_start3A_171 : memref<40x128xf32, #tpu.memory_space<hbm>>) target_semaphore(%arg26 : memref<!tpu.dma_semaphore, #tpu.memory_space<semaphore_mem>>)
      "tpu.region"() ({
        %run_scoped3A = tpu.sem_alloc : memref<!tpu.dma_semaphore, #tpu.memory_space<semaphore_mem>>
        %dma_start3A_172 = arith.constant 0 : i32
        %dma_start3A_173 = arith.constant 0 : i32
        %dma_start3A_174 = tpu.memref_slice %arg22[%dma_start3A_172, %dma_start3A_173] : memref<10000x128xf32, #tpu.memory_space<vmem_shared>> -> memref<10000x128xf32, #tpu.memory_space<vmem_shared>>
        tpu.enqueue_indirect_dma source(%arg21 : memref<40x128xf32, #tpu.memory_space<vmem>>) target(%dma_start3A_174 : memref<10000x128xf32, #tpu.memory_space<vmem_shared>>) offsets(%arg11 : memref<40xi32, #tpu.memory_space<vmem>>) semaphore(%run_scoped3A : memref<!tpu.dma_semaphore, #tpu.memory_space<semaphore_mem>>) {add = true}
        %dma_wait3A_175 = arith.constant 0 : i32
        %dma_wait3A_176 = arith.constant 0 : i32
        %dma_wait3A_177 = tpu.memref_slice %arg22[%dma_wait3A_175, %dma_wait3A_176] : memref<10000x128xf32, #tpu.memory_space<vmem_shared>> -> memref<10000x128xf32, #tpu.memory_space<vmem_shared>>
        tpu.wait_indirect_dma semaphore(%run_scoped3A : memref<!tpu.dma_semaphore, #tpu.memory_space<semaphore_mem>>) src(%arg21 : memref<40x128xf32, #tpu.memory_space<vmem>>) dst(%dma_wait3A_177 : memref<10000x128xf32, #tpu.memory_space<vmem_shared>>)
        tpu.yield
      }) : () -> ()
    }
    %scan3A_83 = arith.constant 125 : i32
    %add3A_84 = arith.constant 9960 : i32
    %add3A_85 = arith.addi %mul3A_22, %add3A_84 : i32
    %dma_wait3A_86 = arith.constant 0 : i32
    %dma_wait3A_87 = tpu.memref_slice %arg6[%add3A_85, %dma_wait3A_86] : memref<320000x128xf32, #tpu.memory_space<hbm>> -> memref<40x128xf32, #tpu.memory_space<hbm>>
    %dma_wait3A_88 = arith.constant 0 : i32
    %dma_wait3A_89 = tpu.memref_slice %arg6[%add3A_85, %dma_wait3A_88] : memref<320000x128xf32, #tpu.memory_space<hbm>> -> memref<40x128xf32, #tpu.memory_space<hbm>>
    tpu.wait_dma2 semaphore(%arg26 : memref<!tpu.dma_semaphore, #tpu.memory_space<semaphore_mem>>) src(%arg19 : memref<40x128xf32, #tpu.memory_space<vmem>>) dst(%dma_wait3A_89 : memref<40x128xf32, #tpu.memory_space<hbm>>)
    %barrier3A_90 = arith.constant 0 : index
    tpu.barrier barrier_id(%barrier3A_90)
    "tpu.region"() ({
      %run_scoped3A = tpu.sem_alloc : memref<!tpu.dma_semaphore, #tpu.memory_space<semaphore_mem>>
      %dma_start3A_91 = arith.constant 0 : i32
      %dma_start3A_92 = tpu.memref_slice %arg7[%arg0, %mul3A_18, %dma_start3A_91] : memref<2x10000x128xf32, #tpu.memory_space<hbm>> -> memref<1x632x128xf32, #tpu.memory_space<hbm>>
      %dma_start3A_93 = tpu.memref_squeeze %dma_start3A_92 : memref<1x632x128xf32, #tpu.memory_space<hbm>> -> memref<632x128xf32, #tpu.memory_space<hbm>>
      %dma_start3A_94 = arith.constant 0 : i32
      %dma_start3A_95 = tpu.memref_slice %arg22[%mul3A_18, %dma_start3A_94] : memref<10000x128xf32, #tpu.memory_space<vmem_shared>> -> memref<632x128xf32, #tpu.memory_space<vmem_shared>>
      tpu.enqueue_dma source(%dma_start3A_95 : memref<632x128xf32, #tpu.memory_space<vmem_shared>>) target(%dma_start3A_93 : memref<632x128xf32, #tpu.memory_space<hbm>>) target_semaphore(%run_scoped3A : memref<!tpu.dma_semaphore, #tpu.memory_space<semaphore_mem>>)
      %dma_wait3A_96 = arith.constant 0 : i32
      %dma_wait3A_97 = tpu.memref_slice %arg7[%arg0, %mul3A_18, %dma_wait3A_96] : memref<2x10000x128xf32, #tpu.memory_space<hbm>> -> memref<1x632x128xf32, #tpu.memory_space<hbm>>
      %dma_wait3A_98 = tpu.memref_squeeze %dma_wait3A_97 : memref<1x632x128xf32, #tpu.memory_space<hbm>> -> memref<632x128xf32, #tpu.memory_space<hbm>>
      %dma_wait3A_99 = arith.constant 0 : i32
      %dma_wait3A_100 = tpu.memref_slice %arg22[%mul3A_18, %dma_wait3A_99] : memref<10000x128xf32, #tpu.memory_space<vmem_shared>> -> memref<632x128xf32, #tpu.memory_space<vmem_shared>>
      tpu.wait_dma2 semaphore(%run_scoped3A : memref<!tpu.dma_semaphore, #tpu.memory_space<semaphore_mem>>) src(%dma_wait3A_100 : memref<632x128xf32, #tpu.memory_space<vmem_shared>>) dst(%dma_wait3A_98 : memref<632x128xf32, #tpu.memory_space<hbm>>)
      tpu.yield
    }) : () -> ()
    return
  }
}

</mosaic_0001>

<sc_bundles>
// kernel: _sc_hat_sig.3.cloned.1.call-start
scs
__scs_entry_jumppad:
0x0: {  	(pc) =	sbr.rel $0x88, $3  }
0x1: {  	(tag) =	ssettag $0x0;
	lr =	simm.s32 $0x1  }
0x2: {  	[smem:$0x3F9D] =	sst lr;
	_ =	strace $0xD0000000  }
0x3: {  	_ = 	snop  }
0x4: {  	_ = 	snop  }
0x5: {  	_ = 	snop  }
0x6: {  	_ = 	snop  }
0x7: {  	_ = 	snop  }
__scs_overlays_trampoline_lowered:
0x8: {  	[smem:$0x3FAC] =	sst s0  }
0x9: {  	[smem:$0x3FAD] =	sst s1  }
0xa: {  	[smem:$0x3FAE] =	sst s2  }
0xb: {  	[smem:$0x3FAF] =	sst s3  }
0xc: {  	[smem:$0x3FB0] =	sst s4  }
0xd: {  	[smem:$0x3FB1] =	sst s5  }
0xe: {  	[smem:$0x3FB2] =	sst s6  }
0xf: {  	[smem:$0x3FB3] =	sst s7  }
0x10: {  	[smem:$0x3FB4] =	sst s8  }
0x11: {  	[smem:$0x3FB5] =	sst s9;
	s0 =	simm.s32 @!p0 $0x0  }
0x12: {  	s1 =	sld [smem:$0x3F9B];
	s0 =	simm.s32 @p0 $0x1  }
0x13: {  	[smem:$0x3FB6] =	sst s0;
	s0 =	simm.s32 @!p1 $0x0  }
0x14: {  	s2 =	sld [smem:$0x3F9A];
	s0 =	simm.s32 @p1 $0x1  }
0x15: {  	[smem:$0x3FB7] =	sst s0;
	s0 =	simm.s32 @!p2 $0x0  }
0x16: {  	s3 =	sld [smem:$0x3FDB];
	s0 =	simm.s32 @p2 $0x1  }
0x17: {  	s4 =	simm.s32 $0x1BF5;
	[smem:$0x3FB9] =	sst s0  }
0x18: {  	s0 =	sld [smem:$0x3F9C];
	_ =	swait.ge [sflag:s4], $0x0  }
0x19: {  	s7 =	sld [smem:$0x3F9D]  }
0x1a: {  	s8 =	sadd.s32 $0xFFFFE003, lr  }
0x1b: {  	s9 =	sadd.s32 $0xFFFFFEF7, lr;
	s5 =	simm.s32 $0xFFFFFFFF;
	p2 =	slt.u32 s8, $0xFFFFF086  }
0x1c: {  	p1 =	slt.u32 s9, $0xF7A;
	s5 =	simm.s32 @!p2 $0x0  }
0x1d: {  	s5 =	simm.s32 @p1 $0x1;
	p0 =	seq.s32 s7, s2  }
0x1e: {  	s7 =	smul.u32 @!p0 $0xF7A, s2;
	p2 =	seq.s32 @!p0 s5, $0x0  }
0x1f: {  	s9 =	smul.u32 $0xF7A, s1;
	s8 =	simm.s32 @!p0 $0x1BF5;
	p2 =	por !p2, p0  }
0x20: {  	[sflag:s8] =	ssyncset.s32 @!p0 $0xFFFFF086;
	s6 =	sadd.s32 @!p0 s3, s7;
	s7 =	simm.s32 @!p0 $0x108  }
0x21: {  	s3 =	sadd.s32 s3, s9;
	s6 =	sadd.s32 @!p0 $0x88, s6;
	s7 =	simm.s32 @p2 $0x1082  }
0x22: {  	[simem:s7], [sflag:s8] =	dma.local @!p0 [hbm:s6], $0xF7A  }
0x23: {  	s9 =	sor.u32 $0xD0000000, s2;
	s6 =	simm.s32 $0x108;
	_ =	swait.ge @!p0 [sflag:s8], $0x0  }
0x24: {  	s3 =	sadd.s32 $0x88, s3;
	s6 =	simm.s32 @!p1 $0x1082;
	[sflag:s4] =	ssyncset.s32 $0xFFFFF086  }
0x25: {  	[simem:s6], [sflag:s4] =	dma.local [hbm:s3], $0xF7A  }
0x26: {  	[smem:$0x3F9D] =	sst s1;
	(tag) =	ssettag s2;
	_ =	strace s9  }
0x27: {  	s1 =	sld [smem:$0x3FAD]  }
0x28: {  	s2 =	sld [smem:$0x3FAE]  }
0x29: {  	s4 =	sld [smem:$0x3FB0]  }
0x2a: {  	p0 =	seq.s32 s5, $0x0;
	s5 =	sld [smem:$0x3FB1]  }
0x2b: {  	s6 =	sld [smem:$0x3FB2]  }
0x2c: {  	s7 =	sld [smem:$0x3FB3]  }
0x2d: {  	s3 =	simm.s32 $0x108;
	s8 =	sld [smem:$0x3FB4]  }
0x2e: {  	s3 =	simm.s32 @!p0 $0x1082;
	s9 =	sld [smem:$0x3FB5]  }
0x2f: {  	lr =	sadd.s32 s0, s3;
	s0 =	sld [smem:$0x3FAC]  }
0x30: {  	s3 =	sld [smem:$0x3FAF]  }
0x31: {  	[smem:$0x3FB8] =	sst s10  }
0x32: {  	s10 =	sld [smem:$0x3FB6];
	_ =	sdelay $0x3  }
0x33: {  	p0 =	seq.s32 s10, $0x1;
	s10 =	sld [smem:$0x3FB8];
	_ =	sdelay $0x3  }
0x34: {  	[smem:$0x3FB8] =	sst s10  }
0x35: {  	s10 =	sld [smem:$0x3FB7];
	_ =	sdelay $0x3  }
0x36: {  	p1 =	seq.s32 s10, $0x1;
	s10 =	sld [smem:$0x3FB8];
	_ =	sdelay $0x3  }
0x37: {  	[smem:$0x3FB8] =	sst s10  }
0x38: {  	s10 =	sld [smem:$0x3FB9]  }
0x39: {  	_ = 	snop;
	(pc) =	sbr.ind lr, $3  }
0x3a: {  	_ = 	snop  }
0x3b: {  	_ = 	snop  }
0x3c: {  	p2 =	seq.s32 s10, $0x1;
	s10 =	sld [smem:$0x3FB8]  }
0x3d: {  	_ =	shalt  }
0x3e: {  	_ =	shalt  }
0x3f: {  	_ =	shalt  }
0x40: {  	_ =	shalt  }
0x41: {  	_ =	shalt  }
0x42: {  	_ =	shalt  }
0x43: {  	_ =	shalt  }
0x44: {  	_ =	shalt  }
0x45: {  	_ =	shalt  }
0x46: {  	_ =	shalt  }
0x47: {  	_ =	shalt  }
0x48: {  	_ =	shalt  }
0x49: {  	_ =	shalt  }
0x4a: {  	_ =	shalt  }
0x4b: {  	_ =	shalt  }
0x4c: {  	_ =	shalt  }
0x4d: {  	_ =	shalt  }
0x4e: {  	_ =	shalt  }
0x4f: {  	_ =	shalt  }
0x50: {  	_ =	shalt  }
0x51: {  	_ =	shalt  }
0x52: {  	_ =	shalt  }
0x53: {  	_ =	shalt  }
0x54: {  	_ =	shalt  }
0x55: {  	_ =	shalt  }
0x56: {  	_ =	shalt  }
0x57: {  	_ =	shalt  }
0x58: {  	_ =	shalt  }
0x59: {  	_ =	shalt  }
0x5a: {  	_ =	shalt  }
0x5b: {  	_ =	shalt  }
0x5c: {  	_ =	shalt  }
0x5d: {  	_ =	shalt  }
0x5e: {  	_ =	shalt  }
0x5f: {  	_ =	shalt  }
0x60: {  	_ =	shalt  }
0x61: {  	_ =	shalt  }
0x62: {  	_ =	shalt  }
0x63: {  	_ =	shalt  }
0x64: {  	_ =	shalt  }
0x65: {  	_ =	shalt  }
0x66: {  	_ =	shalt  }
0x67: {  	_ =	shalt  }
0x68: {  	_ =	shalt  }
0x69: {  	_ =	shalt  }
0x6a: {  	_ =	shalt  }
0x6b: {  	_ =	shalt  }
0x6c: {  	_ =	shalt  }
0x6d: {  	_ =	shalt  }
0x6e: {  	_ =	shalt  }
0x6f: {  	_ =	shalt  }
0x70: {  	_ =	shalt  }
0x71: {  	_ =	shalt  }
0x72: {  	_ =	shalt  }
0x73: {  	_ =	shalt  }
0x74: {  	_ =	shalt  }
0x75: {  	_ =	shalt  }
0x76: {  	_ =	shalt  }
0x77: {  	_ =	shalt  }
0x78: {  	_ =	shalt  }
0x79: {  	_ =	shalt  }
0x7a: {  	_ =	shalt  }
0x7b: {  	_ =	shalt  }
0x7c: {  	_ =	shalt  }
0x7d: {  	_ =	shalt  }
0x7e: {  	_ =	shalt  }
0x7f: {  	_ =	shalt  }
0x80: {  	_ =	shalt  }
0x81: {  	_ =	shalt  }
0x82: {  	_ =	shalt  }
0x83: {  	_ =	shalt  }
0x84: {  	_ =	shalt  }
0x85: {  	_ =	shalt  }
0x86: {  	_ =	shalt  }
0x87: {  	_ =	shalt  }
.Lfunc_end0:
.L_simem_size_0:
called_computation_lowered:
.L_overlay_start_0:
0x88: {  	s2 =	sld [smem:$0x3FD9]  }
0x89: {  	s3 =	sld [smem:$0x3FFE];
	_ =	sdelay $0x1  }
0x8a: {  	s1 =	srdreg.scid  }
0x8b: {  	s0 =	sand.u32 $0x1, s1  }
0x8c: {  	s15 =	sshll.u32 s0, $0xA;
	s2 =	sadd.s32 s3, s2  }
0x8d: {  	s2 =	sadd.s32 s2, s15  }
0x8e: {  	[smem:$0x3FC4] =	sst s2  }
0x8f: {  	_ = 	snop  }
0x90: {  	s2 =	sld [smem:$0x3FC9]  }
0x91: {  	s16 =	sld [smem:$0x3FD0]  }
0x92: {  	s4 =	sld [smem:$0x3FC8]  }
0x93: {  	s5 =	sld [smem:$0x3FC7]  }
0x94: {  	s7 =	simm.s32 $0xA;
	s8 =	simm.s32 $0x10;
	s6 =	sld [smem:$0x3FC6]  }
0x95: {  	[smem:s8], [sflag:s7] =	dma.local [hbm:s16], $0x1  }
0x96: {  	_ =	swait.eq [sflag:s7], $0x1  }
0x97: {  	[sflag:s7] =	ssyncset.done $0x0  }
0x98: {  	s17 =	sld [smem:$0x10];
	[sflag:s7] =	ssyncadd.s32 $0xFFFFFFFF  }
0x99: {  	s18 =	sld [smem:$0x11];
	(tm) =	ssettm $0x1  }
0x9a: {  	s19 =	sld [smem:$0x3FFB];
	_ =	sdelay $0x3  }
0x9b: {  	_ =	strace s19  }
0x9c: {  	s8 =	sld [smem:$0x3FFC];
	_ =	sdelay $0x3  }
0x9d: {  	_ =	strace s8  }
0x9e: {  	s8 =	sld [smem:$0x3FFD];
	_ =	sdelay $0x3  }
0x9f: {  	_ =	strace s8  }
0xa0: {  	_ =	strace $0x8FFFFFFF  }
0xa1: {  	s20 =	sld [smem:$0x3FDB];
	_ =	sdelay $0x1  }
0xa2: {  	s9 =	simm.s32 $_scs_section_size  }
0xa3: {  	s10 =	simm.s32 $_size__tile_overlayer_lowered;
	s11 =	simm.s32 $_tile_overlayer_lowered  }
0xa4: {  	s23 =	simm.s32 $0x1BFF;
	s22 =	sshll.u32 s11, $0x1;
	s8 =	sadd.s32 s9, s20  }
0xa5: {  	s12 =	simm.s32 $0x0;
	s21 =	sshll.u32 s10, $0x1;
	s10 =	sadd.s32 s22, s8  }
0xa6: {  	[timem:s12], [sflag:s23] =	dma.local [hbm:s10], s21  }
0xa7: {  	_ =	swait.ge [sflag:s23], s21  }
0xa8: {  	s9 =	ssub.s32 $0x0, s21;
	[sflag:s23] =	ssyncset.done $0x0  }
0xa9: {  	[sflag:s23] =	ssyncadd.s32 s9;
	_ =	sdelay $0x1  }
0xaa: {  	s24 =	simm.s32 $0x1B8B  }
0xab: {  	_ =	swait.ge [sflag:s24], $0x1  }
0xac: {  	[sflag:s24] =	ssyncset.done $0x0  }
0xad: {  	s25 =	simm.s32 $0x1B8E;
	[sflag:s24] =	ssyncadd.s32 $0xFFFFFFFF  }
0xae: {  	s26 =	simm.s32 $execute0_lowered;
	[smem:$0x3FD2] =	sst s25  }
0xaf: {  	s9 =	sshll.u32 s26, $0x1;
	_ =	strace $0x80000046;
	[dreg:$0x1] =	wrdreg $0xFFFFFFFF  }
0xb0: {  	s28 =	simm.s32 $_size_execute0_lowered;
	s8 =	sadd.s32 s8, s9;
	[dreg:$0x0] =	wrdreg $0x0  }
0xb1: {  	s9 =	sshll.u32 s28, $0x1;
	[dreg:$0x2] =	wrdreg s8  }
0xb2: {  	[dreg:$0x3] =	wrdreg s9  }
0xb3: {  	[dreg:$0x4] =	wrdreg $0xC0  }
0xb4: {  	_ =	task [dreg:s12], $0x5FFFF  }
0xb5: {  	[dreg:$0x1] =	wrdreg $0xFFFFFFFF  }
0xb6: {  	[dreg:$0x0] =	wrdreg $0x60  }
0xb7: {  	[dreg:$0x2] =	wrdreg s2  }
0xb8: {  	[dreg:$0x3] =	wrdreg s4  }
0xb9: {  	[dreg:$0x4] =	wrdreg s5  }
0xba: {  	[dreg:$0x5] =	wrdreg s6  }
0xbb: {  	[dreg:$0x6] =	wrdreg s17  }
0xbc: {  	[dreg:$0x7] =	wrdreg s18  }
0xbd: {  	[dreg:$0x8] =	wrdreg $0xA2000  }
0xbe: {  	[dreg:$0x9] =	wrdreg $0x9  }
0xbf: {  	_ =	task.clear_ibuf [dreg:s12], $0xAFFFF;
	_ =	strace $0x90000046  }
0xc0: {  	s29 =	simm.s32 $0x9;
	_ =	strace $0x80000048  }
0xc1: {  	_ =	swait.ge [sflag:s29], $0x1  }
0xc2: {  	[sflag:s29] =	ssyncadd.s32 $0xFFFFFFFF  }
0xc3: {  	_ =	strace $0x90000048  }
0xc4: {  	_ =	sfence  }
0xc5: {  	s30 =	sld [smem:$0x0];
	_ =	sdelay $0x2  }
0xc6: {  	s31 =	sshll.u32 s1, $0xD;
	s1 =	sshrl.u32 s1, $0x2  }
0xc7: {  	s3 =	sand.u32 $0x4000, s31;
	s1 =	sadd.s32 s1, s30  }
0xc8: {  	s0 =	sor.u32 s3, s0;
	s1 =	sshll.u32 s1, $0x11  }
0xc9: {  	s0 =	sor.u32 s1, s0  }
0xca: {  	s0 =	sadd.s32 $0x8F2B, s0  }
0xcb: {  	[sflag:s0] =	ssyncadd.remote.s32 $0x1  }
0xcc: {  	_ =	sfence.sel $0xFFFF  }
0xcd: {  	[dreg:$0x0] =	wrdreg $0xFFFFFFFF;
	(pc) =	sbr.abs _section_cstart, $3  }
0xce: {  	[dreg:$0x1] =	wrdreg $0xFFFFFFFF  }
0xcf: {  	_ =	task.clear_ibuf [dreg:s12], $0x2FFFF;
	_ =	strace $0x9FFFFFFF  }
0xd0: {  	(tm) =	ssettm $0x7FFFFFFF  }
0xd1: {  	_ =	shalt  }
tec
execute0_lowered:
.L_overlay_start_1:
0x0: {  	(tag) =	ssettag $0x1  }
0x1: {  	s0 =	rddreg [dreg:$0x0]  }
0x2: {  	s2 =	rddreg [dreg:$0x1]  }
0x3: {  	s3 =	rddreg [dreg:$0x2]  }
0x4: {  	s4 =	rddreg [dreg:$0x3]  }
0x5: {  	s5 =	rddreg [dreg:$0x4]  }
0x6: {  	s1 =	rddreg [dreg:$0x5];
	s13 =	stileid.u32  }
0x7: {  	s6 =	srdreg.scid;
	s9 =	smul.u32 $0x13880, s13  }
0x8: {  	s7 =	rddreg [dreg:$0x6];
	s6 =	sand.u32 $0x1, s6  }
0x9: {  	s8 =	simm.s32 $0x0;
	s11 =	sshll.u32 s6, $0x4;
	s9 =	sand.u32 $0x1FFC00, s9  }
0xa: {  	[smem:$0x7FF] =	sst s8;
	s11 =	sor.u32 s13, s11;
	s13 =	sadd.s32 s9, s7  }
0xb: {  	_ =	strace $0x80000047;
	s28 =	sadd.s32 $0x1400, s13;
	[dreg:$0x8] =	wrdreg s13  }
0xc: {  	s29 =	sadd.s32 $0x2800, s13;
	[dreg:$0x9] =	wrdreg s28  }
0xd: {  	s30 =	sadd.s32 $0x3C00, s13;
	[dreg:$0xa] =	wrdreg s29  }
0xe: {  	s10 =	ssub.s32 $0x2, s6;
	s14 =	sadd.s32 $0x5000, s13;
	[dreg:$0xb] =	wrdreg s30  }
0xf: {  	s6 =	smul.u32 $0x138800, s6;
	s15 =	sadd.s32 $0x6400, s13;
	[dreg:$0xc] =	wrdreg s14  }
0x10: {  	s12 =	sshrl.u32 s10, $0x1;
	s16 =	sadd.s32 $0x7800, s13;
	[dreg:$0xd] =	wrdreg s15  }
0x11: {  	s12 =	ssub.s32 s10, s12;
	s17 =	sadd.s32 $0x8C00, s13;
	[dreg:$0xe] =	wrdreg s16  }
0x12: {  	s10 =	smul.u32 $0x2710, s11;
	s18 =	sadd.s32 $0xA000, s13;
	[dreg:$0xf] =	wrdreg s17  }
0x13: {  	s6 =	sadd.s32 s6, s9;
	s19 =	sadd.s32 $0xB400, s13;
	[dreg:$0x10] =	wrdreg s18  }
0x14: {  	s11 =	simm.s32 $0x7;
	s20 =	sadd.s32 $0xC800, s13;
	[dreg:$0x11] =	wrdreg s19  }
0x15: {  	s9 =	simm.s32 $0x0;
	s21 =	sadd.s32 $0xDC00, s13;
	[dreg:$0x12] =	wrdreg s20  }
0x16: {  	s6 =	sshrl.u32 s6, $0x3;
	s25 =	smax.u32 s12, $0x1;
	[dreg:$0x13] =	wrdreg s21  }
0x17: {  	s26 =	sadd.s32 $0xF000, s13;
	s12 =	simm.s32 $0x100;
	[dreg:$0x17] =	wrdreg s25  }
0x18: {  	s22 =	sshrl.u32 s10, $0x3;
	s1 =	sadd.s32 s1, s6;
	[dreg:$0x18] =	wrdreg s26  }
0x19: {  	s28 =	sadd.s32 $0x10400, s13;
	s29 =	sadd.s32 $0x11800, s13;
	s30 =	sadd.s32 $0x12C00, s13  }
0x1a: {  	s31 =	sadd.s32 $0x28, s10;
	s14 =	simm.s32 $0x28;
	s15 =	simm.s32 $0x80  }
0x1b: {  	s16 =	simm.s32 $0x180;
	s17 =	simm.s32 $0x1;
	[dreg:$0x14] =	wrdreg s1  }
0x1c: {  	s18 =	simm.s32 $0x6;
	s19 =	simm.s32 $0x1600;
	[dreg:$0x19] =	wrdreg s28  }
0x1d: {  	s20 =	simm.s32 $0x3E00;
	s21 =	simm.s32 $0x5200;
	[dreg:$0x1a] =	wrdreg s29  }
0x1e: {  	s23 =	sadd.s32 s0, s22;
	s24 =	sadd.s32 s2, s22;
	[dreg:$0x1b] =	wrdreg s30  }
0x1f: {  	s1 =	sadd.s32 $0x50, s10;
	s22 =	simm.s32 $0x7A00;
	[dreg:$0x15] =	wrdreg s23  }
0x20: {  	v0 =	vimm.f32 $0.0e+00;
	[dreg:$0x16] =	wrdreg s24;
	s23 =	simm.s32 $0x6600;
	s24 =	simm.s32 $0x8E00  }
.LBB2_1:
0x21: {  	[dreg:$0x1c] =	wrdreg s9;
	s6 =	simm.s32 $0x0;
	s9 =	simm.s32 $0x200  }
.LBB2_2:
0x22: {  	p0 =	sne.s32 s9, $0x4E00;
	[tilespmem:s6+$0x270] =	vst v0  }
0x23: {  	[tilespmem:s6+$0x200] =	vst v0  }
0x24: {  	[tilespmem:s6+$0x210] =	vst v0  }
.Ltmp0:
0x25: {  	[tilespmem:s6+$0x220] =	vst v0;
	(pc) =	sbr.rel @p0 .LBB2_2-.Ltmp0, $4  }
0x26: {  	[tilespmem:s6+$0x230] =	vst v0  }
0x27: {  	[tilespmem:s6+$0x240] =	vst v0  }
0x28: {  	[tilespmem:s6+$0x250] =	vst v0  }
0x29: {  	[tilespmem:s6+$0x260] =	vst v0;
	s6 =	sshra.s32 s9, $0x2;
	s9 =	sadd.s32 $0x200, s9  }
0x2a: {  	[tilespmem:s6+$0x270] =	vst v0  }
0x2b: {  	[tilespmem:s6+$0x200] =	vst v0  }
0x2c: {  	[tilespmem:s6+$0x210] =	vst v0  }
0x2d: {  	[tilespmem:s6+$0x220] =	vst v0  }
0x2e: {  	[tilespmem:s6+$0x230] =	vst v0  }
0x2f: {  	[tilespmem:s6+$0x240] =	vst v0  }
0x30: {  	[tilespmem:s6+$0x250] =	vst v0  }
0x31: {  	[tilespmem:s6+$0x260] =	vst v0;
	s9 =	simm.s32 $0x200  }
0x32: {  	[spmem:s13] =	stream.linear.scatter [tilespmem:s9], [sflag:$0x7], $0x1400, $0x38;
	[tilespmem:$0x1DA80] =	vst v63  }
0x33: {  	_ =	swait.ge [sflag:s11], $0x1400  }
0x34: {  	[sflag:s11] =	ssyncset.done $0x0  }
0x35: {  	s25 =	rddreg [dreg:$0x9];
	[sflag:s11] =	ssyncadd.s32 $0xFFFFEC00  }
0x36: {  	[spmem:s25] =	stream.linear.scatter [tilespmem:s9], [sflag:$0x7], $0x1400, $0x38;
	[tilespmem:$0x1DA80] =	vst v63  }
0x37: {  	_ =	swait.ge [sflag:s11], $0x1400  }
0x38: {  	[sflag:s11] =	ssyncset.done $0x0  }
0x39: {  	s26 =	rddreg [dreg:$0xa];
	[sflag:s11] =	ssyncadd.s32 $0xFFFFEC00  }
0x3a: {  	[spmem:s26] =	stream.linear.scatter [tilespmem:s9], [sflag:$0x7], $0x1400, $0x38;
	[tilespmem:$0x1DA80] =	vst v63  }
0x3b: {  	_ =	swait.ge [sflag:s11], $0x1400  }
0x3c: {  	[sflag:s11] =	ssyncset.done $0x0  }
0x3d: {  	s29 =	rddreg [dreg:$0xb];
	[sflag:s11] =	ssyncadd.s32 $0xFFFFEC00  }
0x3e: {  	[spmem:s29] =	stream.linear.scatter [tilespmem:s9], [sflag:$0x7], $0x1400, $0x38;
	[tilespmem:$0x1DA80] =	vst v63  }
0x3f: {  	_ =	swait.ge [sflag:s11], $0x1400  }
0x40: {  	[sflag:s11] =	ssyncset.done $0x0  }
0x41: {  	s30 =	rddreg [dreg:$0xc];
	[sflag:s11] =	ssyncadd.s32 $0xFFFFEC00  }
0x42: {  	[spmem:s30] =	stream.linear.scatter [tilespmem:s9], [sflag:$0x7], $0x1400, $0x38;
	[tilespmem:$0x1DA80] =	vst v63  }
0x43: {  	_ =	swait.ge [sflag:s11], $0x1400  }
0x44: {  	[sflag:s11] =	ssyncset.done $0x0  }
0x45: {  	s13 =	rddreg [dreg:$0xd];
	[sflag:s11] =	ssyncadd.s32 $0xFFFFEC00  }
0x46: {  	[spmem:s13] =	stream.linear.scatter [tilespmem:s9], [sflag:$0x7], $0x1400, $0x38;
	[tilespmem:$0x1DA80] =	vst v63  }
0x47: {  	_ =	swait.ge [sflag:s11], $0x1400  }
0x48: {  	[sflag:s11] =	ssyncset.done $0x0  }
0x49: {  	s25 =	rddreg [dreg:$0xe];
	[sflag:s11] =	ssyncadd.s32 $0xFFFFEC00  }
0x4a: {  	[spmem:s25] =	stream.linear.scatter [tilespmem:s9], [sflag:$0x7], $0x1400, $0x38;
	[tilespmem:$0x1DA80] =	vst v63  }
0x4b: {  	_ =	swait.ge [sflag:s11], $0x1400  }
0x4c: {  	[sflag:s11] =	ssyncset.done $0x0  }
0x4d: {  	s26 =	rddreg [dreg:$0xf];
	[sflag:s11] =	ssyncadd.s32 $0xFFFFEC00  }
0x4e: {  	[spmem:s26] =	stream.linear.scatter [tilespmem:s9], [sflag:$0x7], $0x1400, $0x38;
	[tilespmem:$0x1DA80] =	vst v63  }
0x4f: {  	_ =	swait.ge [sflag:s11], $0x1400  }
0x50: {  	[sflag:s11] =	ssyncset.done $0x0  }
0x51: {  	s29 =	rddreg [dreg:$0x10];
	[sflag:s11] =	ssyncadd.s32 $0xFFFFEC00  }
0x52: {  	[spmem:s29] =	stream.linear.scatter [tilespmem:s9], [sflag:$0x7], $0x1400, $0x38;
	[tilespmem:$0x1DA80] =	vst v63  }
0x53: {  	_ =	swait.ge [sflag:s11], $0x1400  }
0x54: {  	[sflag:s11] =	ssyncset.done $0x0  }
0x55: {  	s30 =	rddreg [dreg:$0x11];
	[sflag:s11] =	ssyncadd.s32 $0xFFFFEC00  }
0x56: {  	[spmem:s30] =	stream.linear.scatter [tilespmem:s9], [sflag:$0x7], $0x1400, $0x38;
	[tilespmem:$0x1DA80] =	vst v63  }
0x57: {  	_ =	swait.ge [sflag:s11], $0x1400  }
0x58: {  	[sflag:s11] =	ssyncset.done $0x0  }
0x59: {  	s13 =	rddreg [dreg:$0x12];
	[sflag:s11] =	ssyncadd.s32 $0xFFFFEC00  }
0x5a: {  	[spmem:s13] =	stream.linear.scatter [tilespmem:s9], [sflag:$0x7], $0x1400, $0x38;
	[tilespmem:$0x1DA80] =	vst v63  }
0x5b: {  	_ =	swait.ge [sflag:s11], $0x1400  }
0x5c: {  	[sflag:s11] =	ssyncset.done $0x0  }
0x5d: {  	s25 =	rddreg [dreg:$0x13];
	[sflag:s11] =	ssyncadd.s32 $0xFFFFEC00  }
0x5e: {  	[spmem:s25] =	stream.linear.scatter [tilespmem:s9], [sflag:$0x7], $0x1400, $0x38;
	[tilespmem:$0x1DA80] =	vst v63  }
0x5f: {  	_ =	swait.ge [sflag:s11], $0x1400  }
0x60: {  	[sflag:s11] =	ssyncset.done $0x0  }
0x61: {  	s26 =	rddreg [dreg:$0x18];
	[sflag:s11] =	ssyncadd.s32 $0xFFFFEC00  }
0x62: {  	[spmem:s26] =	stream.linear.scatter [tilespmem:s9], [sflag:$0x7], $0x1400, $0x38;
	[tilespmem:$0x1DA80] =	vst v63  }
0x63: {  	_ =	swait.ge [sflag:s11], $0x1400  }
0x64: {  	[sflag:s11] =	ssyncset.done $0x0  }
0x65: {  	s29 =	rddreg [dreg:$0x19];
	[sflag:s11] =	ssyncadd.s32 $0xFFFFEC00  }
0x66: {  	[spmem:s29] =	stream.linear.scatter [tilespmem:s9], [sflag:$0x7], $0x1400, $0x38;
	[tilespmem:$0x1DA80] =	vst v63  }
0x67: {  	_ =	swait.ge [sflag:s11], $0x1400  }
0x68: {  	[sflag:s11] =	ssyncset.done $0x0  }
0x69: {  	s30 =	rddreg [dreg:$0x1a];
	[sflag:s11] =	ssyncadd.s32 $0xFFFFEC00  }
0x6a: {  	[spmem:s30] =	stream.linear.scatter [tilespmem:s9], [sflag:$0x7], $0x1400, $0x38;
	[tilespmem:$0x1DA80] =	vst v63  }
0x6b: {  	_ =	swait.ge [sflag:s11], $0x1400  }
0x6c: {  	[sflag:s11] =	ssyncset.done $0x0  }
0x6d: {  	s13 =	rddreg [dreg:$0x1b];
	[sflag:s11] =	ssyncadd.s32 $0xFFFFEC00  }
0x6e: {  	[spmem:s13] =	stream.linear.scatter [tilespmem:s9], [sflag:$0x7], $0x1000, $0x38;
	[tilespmem:$0x1DA80] =	vst v63  }
0x6f: {  	_ =	swait.ge [sflag:s11], $0x1000  }
0x70: {  	[sflag:s11] =	ssyncset.done $0x0  }
0x71: {  	[sflag:s11] =	ssyncadd.s32 $0xFFFFF000  }
0x72: {  	[bflag:$0x0] =	sbarrier.arrive $0xFFFF  }
0x73: {  	s28 =	simm.s32 $0x0;
	s25 =	rddreg [dreg:$0x15]  }
0x74: {  	[tilespmem:s28], [sflag:$0x5] =	stream.linear.gather [hbm4b:s25+s28], $0x28, $0x38;
	[tilespmem:$0x1DA80] =	vst v63  }
0x75: {  	s29 =	simm.s32 $0x5;
	s26 =	rddreg [dreg:$0x16]  }
0x76: {  	[tilespmem:s12], [sflag:$0x5] =	stream.linear.gather [hbm4b:s26+s28], $0x28, $0x38;
	[tilespmem:$0x1DA80] =	vst v63  }
0x77: {  	_ =	swait.ge [sflag:s29], $0x28  }
0x78: {  	[sflag:s29] =	ssyncset.done $0x0  }
0x79: {  	[sflag:s29] =	ssyncadd.s32 $0xFFFFFFD8  }
0x7a: {  	_ =	swait.ge [sflag:s29], $0x28  }
0x7b: {  	[sflag:s29] =	ssyncset.done $0x0  }
0x7c: {  	[sflag:s29] =	ssyncadd.s32 $0xFFFFFFD8  }
0x7d: {  	[tilespmem:s9], [sflag:$0x1] =	stream.indirect.gather [hbm4b:s3+s14], $0x80, s28, s14, $0xb8;
	[tilespmem:$0x1DA80] =	vst v63  }
0x7e: {  	s30 =	simm.s32 $0x2A00  }
0x7f: {  	[tilespmem:s30], [sflag:$0x1] =	stream.indirect.gather [hbm4b:s4+s14], $0x80, s12, s14, $0xb8;
	[tilespmem:$0x1DA80] =	vst v63  }
.LBB2_4:
0x80: {  	s30 =	smul.u32 $0x50, s28;
	_ =	sdelay $0x1  }
0x81: {  	s29 =	sadd.s32 s30, s31  }
0x82: {  	s6 =	sshrl.u32 s29, $0x3  }
0x83: {  	s9 =	sadd.s32 s0, s6  }
0x84: {  	[tilespmem:s15], [sflag:$0x6] =	stream.linear.gather [hbm4b:s9+s8], $0x28, $0x38;
	[tilespmem:$0x1DA80] =	vst v63  }
0x85: {  	p0 =	seq.s32 s28, $0x0;
	s6 =	sadd.s32 s2, s6  }
0x86: {  	[tilespmem:s16], [sflag:$0x6] =	stream.linear.gather [hbm4b:s6+s8], $0x28, $0x38;
	[tilespmem:$0x1DA80] =	vst v63  }
0x87: {  	s6 =	simm.s32 @!p0 $0x4  }
0x88: {  	_ =	swait.ge @!p0 [sflag:s6], $0x1400  }
0x89: {  	[sflag:s6] =	ssyncset.done @!p0 $0x0  }
0x8a: {  	[sflag:s6] =	ssyncadd.s32 @!p0 $0xFFFFEC00  }
0x8b: {  	_ =	swait.ge [sflag:s17], $0x1400  }
0x8c: {  	[sflag:s17] =	ssyncset.done $0x0  }
0x8d: {  	[sflag:s17] =	ssyncadd.s32 $0xFFFFEC00  }
0x8e: {  	_ =	swait.ge [sflag:s17], $0x1400  }
0x8f: {  	[sflag:s17] =	ssyncset.done $0x0  }
0x90: {  	[sflag:s17] =	ssyncadd.s32 $0xFFFFEC00  }
0x91: {  	_ =	swait.ge [sflag:s18], $0x28  }
0x92: {  	[sflag:s18] =	ssyncset.done $0x0  }
0x93: {  	[sflag:s18] =	ssyncadd.s32 $0xFFFFFFD8  }
0x94: {  	_ =	swait.ge [sflag:s18], $0x28  }
0x95: {  	[sflag:s18] =	ssyncset.done $0x0  }
0x96: {  	[sflag:s18] =	ssyncadd.s32 $0xFFFFFFD8  }
0x97: {  	[tilespmem:s19], [sflag:$0x2] =	stream.indirect.gather [hbm4b:s3+s14], $0x80, s15, s14, $0xb8;
	[tilespmem:$0x1DA80] =	vst v63  }
0x98: {  	s9 =	simm.s32 $0x0  }
0x99: {  	[tilespmem:s20], [sflag:$0x2] =	stream.indirect.gather [hbm4b:s4+s14], $0x80, s16, s14, $0xb8;
	[tilespmem:$0x1DA80] =	vst v63  }
0x9a: {  	v1 =	vld [tilespmem:s9+$0x2A70]  }
0x9b: {  	v3 =	vld [tilespmem:s9+$0x2A40]  }
0x9c: {  	v8 =	vld [tilespmem:s9+$0x2A10]  }
0x9d: {  	v9 =	vld [tilespmem:s9+$0x210]  }
0x9e: {  	v4 =	vld [tilespmem:s9+$0x240]  }
0x9f: {  	v5 =	vld [tilespmem:s9+$0x200]  }
0xa0: {  	v6 =	vld [tilespmem:s9+$0x2A20]  }
0xa1: {  	v7 =	vld [tilespmem:s9+$0x220]  }
0xa2: {  	v8 =	vadd.f32 v8, v9;
	v9 =	vld [tilespmem:s9+$0x270]  }
0xa3: {  	v10 =	vld [tilespmem:s9+$0x2A00]  }
0xa4: {  	v2 =	vld [tilespmem:s9+$0x250]  }
0xa5: {  	v11 =	vld [tilespmem:s9+$0x2A50]  }
0xa6: {  	v12 =	vld [tilespmem:s9+$0x2A60];
	v6 =	vadd.f32 v6, v7  }
0xa7: {  	v13 =	vld [tilespmem:s9+$0x260];
	v9 =	vadd.f32 v1, v9;
	v1 =	vadd.f32 v3, v4  }
0xa8: {  	v7 =	vld [tilespmem:s9+$0x2A30];
	v5 =	vadd.f32 v10, v5;
	[tilespmem:s9+$0x5220] =	vst v6  }
0xa9: {  	s25 =	simm.s32 $0x80;
	v10 =	vld [tilespmem:s9+$0x230];
	[tilespmem:s9+$0x5210] =	vst v8;
	v4 =	vsub.f32 $0.0e+00, v1  }
0xaa: {  	v14 =	vld [tilespmem:s25+$0x2A70];
	[tilespmem:s9+$0x5200] =	vst v5  }
0xab: {  	v15 =	vld [tilespmem:s25+$0x250];
	v4 =	vmul.f32 $1.442695020e+00, v4  }
0xac: {  	v2 =	vadd.f32 v11, v2;
	v16 =	vld [tilespmem:s25+$0x2A40]  }
0xad: {  	v12 =	vadd.f32 v12, v13;
	v11 =	vld [tilespmem:s25+$0x240];
	(erf) = vpow2.f32 v4  }
0xae: {  	v17 =	vld [tilespmem:s25+$0x200];
	[tilespmem:s9+$0x5250] =	vst v2  }
0xaf: {  	v13 =	vld [tilespmem:s25+$0x2A20];
	[tilespmem:s9+$0x5260] =	vst v12;
	v4 =	vsub.f32 $0.0e+00, v8  }
0xb0: {  	v5 =	vsub.f32 $0.0e+00, v5;
	v2 =	vsub.f32 $0.0e+00, v2;
	v3 =	vld [tilespmem:s25+$0x220];
	[tilespmem:s9+$0x5270] =	vst v9  }
0xb1: {  	v12 =	vsub.f32 $0.0e+00, v12;
	v18 =	vld [tilespmem:s25+$0x2A10];
	v4 =	vmul.f32 $1.442695020e+00, v4  }
0xb2: {  	v5 =	vmul.f32 $1.442695020e+00, v5;
	v2 =	vmul.f32 $1.442695020e+00, v2;
	v19 =	vld [tilespmem:s25+$0x210]  }
0xb3: {  	v20 =	vld [tilespmem:s25+$0x2A00];
	(erf) = vpow2.f32 v4;
	v4 =	vsub.f32 $0.0e+00, v9;
	v9 =	vmul.f32 $1.442695020e+00, v12  }
0xb4: {  	v6 =	vsub.f32 $0.0e+00, v6;
	v7 =	vadd.f32 v7, v10;
	(erf) = vpow2.f32 v2  }
0xb5: {  	v10 =	vld [tilespmem:s25+$0x2A50];
	v2 =	vmul.f32 $1.442695020e+00, v4;
	(erf) = vpow2.f32 v9  }
0xb6: {  	v6 =	vmul.f32 $1.442695020e+00, v6;
	v21 =	vld [tilespmem:s25+$0x2A30];
	[tilespmem:s9+$0x5230] =	vst v7;
	v3 =	vadd.f32 v13, v3;
	(erf) = vpow2.f32 v5;
	v5 =	vpop (erf)  }
0xb7: {  	v8 =	vld [tilespmem:s25+$0x2A60];
	v13 =	vadd.f32 v18, v19;
	(erf) = vpow2.f32 v2;
	v5 =	vadd.f32 $1.000000000e+00, v5  }
0xb8: {  	[tilespmem:s25+$0x5220] =	vst v3;
	v17 =	vadd.f32 v20, v17;
	v12 =	vld [tilespmem:s25+$0x260];
	v2 =	vadd.f32 v16, v11;
	(erf) = vpow2.f32 v6  }
0xb9: {  	s13 =	simm.s32 $0x100;
	v18 =	vld [tilespmem:s25+$0x270];
	[tilespmem:s25+$0x5210] =	vst v13;
	(erf) = vrcp.f32 v5;
	v5 =	vsub.f32 $0.0e+00, v7  }
0xba: {  	v4 =	vld [tilespmem:s13+$0x2A70];
	[tilespmem:s25+$0x5200] =	vst v17;
	v9 =	vsub.f32 $0.0e+00, v2  }
0xbb: {  	v62 =	vld [tilespmem:s13+$0x250];
	v5 =	vmul.f32 $1.442695020e+00, v5  }
0xbc: {  	v13 =	vsub.f32 $0.0e+00, v13;
	v22 =	vld [tilespmem:s13+$0x2A40];
	v6 =	vadd.f32 v10, v15;
	v9 =	vmul.f32 $1.442695020e+00, v9;
	v10 =	vpop (erf)  }
0xbd: {  	v16 =	vld [tilespmem:s13+$0x240];
	v8 =	vadd.f32 v8, v12;
	v12 =	vpop (erf);
	(erf) = vpow2.f32 v5;
	v5 =	vadd.f32 $1.000000000e+00, v10  }
0xbe: {  	v13 =	vmul.f32 $1.442695020e+00, v13;
	v7 =	vld [tilespmem:s13+$0x200];
	[tilespmem:s25+$0x5250] =	vst v6;
	v6 =	vsub.f32 $0.0e+00, v6;
	v10 =	vpop (erf);
	(erf) = vpow2.f32 v9  }
0xbf: {  	v19 =	vld [tilespmem:s25+$0x230];
	v14 =	vadd.f32 v14, v18;
	v10 =	vadd.f32 $1.000000000e+00, v10;
	(erf) = vrcp.f32 v5  }
0xc0: {  	v11 =	vld [tilespmem:s13+$0x2A20];
	[tilespmem:s25+$0x5260] =	vst v8;
	v6 =	vmul.f32 $1.442695020e+00, v6;
	v9 =	vpop (erf);
	(erf) = vpow2.f32 v13  }
0xc1: {  	v3 =	vsub.f32 $0.0e+00, v3;
	v17 =	vsub.f32 $0.0e+00, v17;
	v15 =	vld [tilespmem:s13+$0x220];
	[tilespmem:s25+$0x5270] =	vst v14;
	v5 =	vpop (erf);
	(erf) = vrcp.f32 v10  }
0xc2: {  	v18 =	vld [tilespmem:s13+$0x2A10];
	v13 =	vpop (erf);
	(erf) = vpow2.f32 v6;
	v6 =	vsub.f32 $0.0e+00, v8;
	v8 =	vadd.f32 $1.000000000e+00, v9  }
0xc3: {  	v63 =	vmul.f32 $1.442695020e+00, v3;
	v14 =	vsub.f32 $0.0e+00, v14;
	v23 =	vld [tilespmem:s13+$0x210];
	v9 =	vadd.f32 $1.000000000e+00, v5;
	v10 =	vpop (erf)  }
0xc4: {  	v24 =	vld [tilespmem:s13+$0x2A00];
	v12 =	vadd.f32 $1.000000000e+00, v12;
	[tilespmem:s9+$0x7A40] =	vst v10;
	v10 =	vmul.f32 $1.442695020e+00, v17;
	(erf) = vrcp.f32 v8  }
0xc5: {  	v17 =	vadd.f32 v21, v19;
	v6 =	vmul.f32 $1.442695020e+00, v6;
	(erf) = vrcp.f32 v9  }
0xc6: {  	v14 =	vmul.f32 $1.442695020e+00, v14;
	v8 =	vadd.f32 v11, v15;
	v19 =	vld [tilespmem:s13+$0x2A50];
	(erf) = vrcp.f32 v12  }
0xc7: {  	v11 =	vsub.f32 $0.0e+00, v17;
	v15 =	vpop (erf);
	v12 =	vadd.f32 $1.000000000e+00, v13;
	(erf) = vpow2.f32 v6  }
0xc8: {  	v5 =	vld [tilespmem:s13+$0x2A30];
	[tilespmem:s25+$0x5230] =	vst v17;
	v13 =	vadd.f32 v18, v23;
	v3 =	vpop (erf);
	v15 =	vadd.f32 $1.000000000e+00, v15;
	(erf) = vpow2.f32 v10  }
0xc9: {  	v9 =	vld [tilespmem:s13+$0x2A60];
	[tilespmem:s13+$0x5220] =	vst v8;
	v11 =	vmul.f32 $1.442695020e+00, v11;
	v6 =	vpop (erf);
	v17 =	vadd.f32 $1.000000000e+00, v3;
	(erf) = vpow2.f32 v14  }
0xca: {  	v10 =	vld [tilespmem:s13+$0x270];
	v3 =	vadd.f32 v22, v16;
	[tilespmem:s9+$0x7A10] =	vst v6;
	v6 =	vsub.f32 $0.0e+00, v8;
	v16 =	vpop (erf);
	(erf) = vrcp.f32 v12  }
0xcb: {  	s26 =	simm.s32 $0x600;
	[tilespmem:s13+$0x5210] =	vst v13;
	v12 =	vadd.f32 v24, v7;
	v8 =	vadd.f32 v19, v62;
	v14 =	vld [tilespmem:s13+$0x260];
	v7 =	vpop (erf);
	(erf) = vpow2.f32 v63  }
.LBB2_5:
0xcc: {  	s6 =	sshra.s32 s26, $0x2;
	p0 =	sne.s32 s26, $0x4E00;
	s26 =	sadd.s32 $0x200, s26;
	v18 =	vld [tilespmem:s13+$0x230];
	v19 =	vsub.f32 $0.0e+00, v3;
	(erf) = vrcp.f32 v17;
	v17 =	vpop (erf);
	[tilespmem:s9+$0x5240] =	vst v1;
	v1 =	vmov v2  }
0xcd: {  	v2 =	vld [tilespmem:s6+$0x2A70];
	[tilespmem:s13+$0x5200] =	vst v12;
	v12 =	vsub.f32 $0.0e+00, v12;
	v20 =	vsub.f32 $0.0e+00, v8;
	v21 =	vpop (erf);
	(erf) = vrcp.f32 v15  }
0xce: {  	v13 =	vsub.f32 $0.0e+00, v13;
	v22 =	vld [tilespmem:s6+$0x250];
	v15 =	vmul.f32 $1.442695020e+00, v19;
	(erf) = vpow2.f32 v11;
	[tilespmem:s9+$0x7A00] =	vst v21;
	v11 =	vpop (erf)  }
0xcf: {  	v16 =	vadd.f32 $1.000000000e+00, v16;
	v19 =	vld [tilespmem:s6+$0x2A40];
	v12 =	vmul.f32 $1.442695020e+00, v12;
	v20 =	vmul.f32 $1.442695020e+00, v20;
	[tilespmem:s9+$0x7A70] =	vst v11;
	v11 =	vpop (erf)  }
0xd0: {  	v24 =	vmul.f32 $1.442695020e+00, v13;
	v21 =	vld [tilespmem:s6+$0x240];
	v9 =	vadd.f32 v9, v14;
	(erf) = vpow2.f32 v15;
	v14 =	vpop (erf);
	[tilespmem:s9+$0x7A50] =	vst v11  }
0xd1: {  	v4 =	vadd.f32 v4, v10;
	v23 =	vld [tilespmem:s6+$0x200];
	[tilespmem:s13+$0x5250] =	vst v8;
	v25 =	vadd.f32 $1.000000000e+00, v14;
	v10 =	vpop (erf);
	(erf) = vrcp.f32 v16  }
0xd2: {  	v11 =	vld [tilespmem:s6+$0x2A20];
	[tilespmem:s13+$0x5260] =	vst v9;
	v9 =	vsub.f32 $0.0e+00, v9;
	(erf) = vpow2.f32 v24;
	v10 =	vadd.f32 $1.000000000e+00, v10;
	v13 =	vpop (erf)  }
0xd3: {  	v26 =	vsub.f32 $0.0e+00, v4;
	v15 =	vadd.f32 $1.000000000e+00, v17;
	v14 =	vld [tilespmem:s6+$0x220];
	[tilespmem:s13+$0x5270] =	vst v4;
	(erf) = vrcp.f32 v25;
	v8 =	vpop (erf)  }
0xd4: {  	v27 =	vadd.f32 $1.000000000e+00, v13;
	v16 =	vld [tilespmem:s6+$0x2A10];
	v9 =	vmul.f32 $1.442695020e+00, v9;
	(erf) = vpow2.f32 v20;
	v17 =	vpop (erf);
	[tilespmem:s9+$0x7A20] =	vst v8  }
0xd5: {  	v18 =	vadd.f32 v5, v18;
	v8 =	vld [tilespmem:s6+$0x210];
	v20 =	vadd.f32 $1.000000000e+00, v17;
	(erf) = vrcp.f32 v10;
	v5 =	vpop (erf);
	[tilespmem:s9+$0x7A60] =	vst v7  }
0xd6: {  	v24 =	vmul.f32 $1.442695020e+00, v26;
	v4 =	vmov v2;
	v7 =	vld [tilespmem:s6+$0x2A00];
	[tilespmem:s25+$0x7A40] =	vst v5;
	(erf) = vrcp.f32 v27;
	v5 =	vpop (erf)  }
0xd7: {  	v2 =	vmov v3;
	v10 =	vsub.f32 $0.0e+00, v18;
	v25 =	vld [tilespmem:s6+$0x2A50];
	v13 =	vpop (erf);
	(erf) = vrcp.f32 v15;
	[tilespmem:s9+$0x7A30] =	vst v5;
	s9 =	smov.u32 s25;
	s25 =	smov.u32 s13;
	s13 =	smov.u32 s6  }
.Ltmp1:
0xd8: {  	v26 =	vmul.f32 $1.442695020e+00, v6;
	v3 =	vadd.f32 v11, v14;
	v5 =	vld [tilespmem:s13+$0x2A30];
	[tilespmem:s25+$0x5230] =	vst v18;
	(erf) = vpow2.f32 v9;
	(pc) =	sbr.rel @p0 .LBB2_5-.Ltmp1, $4  }
0xd9: {  	v11 =	vmul.f32 $1.442695020e+00, v10;
	v15 =	vadd.f32 $1.000000000e+00, v13;
	v9 =	vld [tilespmem:s13+$0x2A60];
	(erf) = vpow2.f32 v12;
	v6 =	vpop (erf)  }
0xda: {  	v13 =	vadd.f32 v16, v8;
	[tilespmem:s13+$0x5220] =	vst v3;
	v10 =	vld [tilespmem:s13+$0x270];
	v17 =	vadd.f32 $1.000000000e+00, v6;
	(erf) = vpow2.f32 v24;
	v8 =	vpop (erf)  }
0xdb: {  	v6 =	vsub.f32 $0.0e+00, v3;
	v3 =	vadd.f32 v19, v21;
	v16 =	vpop (erf);
	[tilespmem:s9+$0x7A10] =	vst v8;
	(erf) = vrcp.f32 v20  }
0xdc: {  	v12 =	vadd.f32 v7, v23;
	[tilespmem:s13+$0x5210] =	vst v13;
	v8 =	vadd.f32 v25, v22;
	v14 =	vld [tilespmem:s13+$0x260];
	(erf) = vpow2.f32 v26;
	v7 =	vpop (erf)  }
0xdd: {  	v18 =	vsub.f32 $0.0e+00, v3  }
0xde: {  	v19 =	vpop (erf);
	(erf) = vrcp.f32 v17  }
0xdf: {  	v17 =	vpop (erf);
	(erf) = vrcp.f32 v15;
	v15 =	vmul.f32 $1.442695020e+00, v18  }
0xe0: {  	v13 =	vsub.f32 $0.0e+00, v13  }
0xe1: {  	v18 =	vpop (erf)  }
0xe2: {  	(erf) = vpow2.f32 v11;
	v11 =	vadd.f32 $1.000000000e+00, v16;
	v13 =	vmul.f32 $1.442695020e+00, v13;
	v16 =	vpop (erf)  }
0xe3: {  	v20 =	vsub.f32 $0.0e+00, v8;
	(erf) = vpow2.f32 v15;
	v15 =	vpop (erf)  }
0xe4: {  	(erf) = vrcp.f32 v11;
	v15 =	vadd.f32 $1.000000000e+00, v15  }
0xe5: {  	v9 =	vadd.f32 v9, v14;
	v11 =	vmul.f32 $1.442695020e+00, v20;
	v14 =	vpop (erf);
	(erf) = vpow2.f32 v13  }
0xe6: {  	v4 =	vadd.f32 v4, v10;
	v10 =	vadd.f32 $1.000000000e+00, v14;
	v13 =	vpop (erf);
	(erf) = vrcp.f32 v15  }
0xe7: {  	v58 =	vpop (erf);
	(erf) = vpow2.f32 v11;
	v11 =	vadd.f32 $1.000000000e+00, v13;
	v13 =	vsub.f32 $0.0e+00, v12  }
0xe8: {  	v14 =	vld [tilespmem:s13+$0x230];
	v15 =	vsub.f32 $0.0e+00, v9;
	v21 =	vpop (erf);
	(erf) = vrcp.f32 v10;
	v10 =	vsub.f32 $0.0e+00, v4  }
0xe9: {  	v19 =	vadd.f32 $1.000000000e+00, v19;
	v22 =	vpop (erf);
	(erf) = vrcp.f32 v11;
	v11 =	vmul.f32 $1.442695020e+00, v13  }
0xea: {  	v15 =	vmul.f32 $1.442695020e+00, v15  }
0xeb: {  	[tilespmem:s9+$0x5240] =	vst v1;
	v1 =	vmul.f32 $1.442695020e+00, v10;
	v13 =	vpop (erf);
	(erf) = vrcp.f32 v19  }
0xec: {  	v10 =	vpop (erf);
	(erf) = vpow2.f32 v15  }
0xed: {  	v6 =	vmul.f32 $1.442695020e+00, v6;
	[tilespmem:s13+$0x5200] =	vst v12;
	v5 =	vadd.f32 v5, v14;
	(erf) = vpow2.f32 v11;
	v11 =	vpop (erf)  }
0xee: {  	[tilespmem:s9+$0x7A00] =	vst v17;
	v12 =	vadd.f32 $1.000000000e+00, v21;
	v11 =	vadd.f32 $1.000000000e+00, v11  }
0xef: {  	[tilespmem:s9+$0x7A70] =	vst v18;
	v14 =	vsub.f32 $0.0e+00, v5;
	(erf) = vpow2.f32 v1;
	v1 =	vpop (erf)  }
0xf0: {  	[tilespmem:s9+$0x7A50] =	vst v16;
	v15 =	vpop (erf);
	(erf) = vrcp.f32 v12  }
0xf1: {  	[tilespmem:s13+$0x5250] =	vst v8;
	v8 =	vmul.f32 $1.442695020e+00, v14;
	(erf) = vpow2.f32 v6;
	v6 =	vpop (erf)  }
0xf2: {  	[tilespmem:s13+$0x5260] =	vst v9;
	v10 =	vadd.f32 $1.000000000e+00, v10;
	(erf) = vrcp.f32 v11;
	v11 =	vpop (erf)  }
0xf3: {  	[tilespmem:s13+$0x5270] =	vst v4;
	v9 =	vpop (erf)  }
0xf4: {  	[tilespmem:s9+$0x7A20] =	vst v58;
	(erf) = vrcp.f32 v10;
	v4 =	vpop (erf)  }
0xf5: {  	[tilespmem:s9+$0x7A60] =	vst v7;
	(erf) = vpow2.f32 v8;
	v8 =	vpop (erf)  }
0xf6: {  	[tilespmem:s25+$0x7A40] =	vst v22;
	v10 =	vadd.f32 $1.000000000e+00, v15;
	v7 =	vpop (erf)  }
0xf7: {  	[tilespmem:s9+$0x7A30] =	vst v13;
	v12 =	vpop (erf);
	v7 =	vadd.f32 $1.000000000e+00, v7  }
0xf8: {  	[tilespmem:s13+$0x5230] =	vst v5;
	v13 =	vpop (erf);
	v5 =	vadd.f32 $1.000000000e+00, v12  }
0xf9: {  	[tilespmem:s25+$0x7A10] =	vst v1;
	v1 =	vadd.f32 $1.000000000e+00, v13  }
0xfa: {  	(erf) = vrcp.f32 v10;
	v10 =	vpop (erf)  }
0xfb: {  	(erf) = vrcp.f32 v7;
	v7 =	vpop (erf)  }
0xfc: {  	[tilespmem:s25+$0x5240] =	vst v2;
	(erf) = vrcp.f32 v5;
	v5 =	vpop (erf)  }
0xfd: {  	[tilespmem:s25+$0x7A60] =	vst v6;
	v2 =	vadd.f32 $1.000000000e+00, v11;
	(erf) = vrcp.f32 v1;
	v1 =	vpop (erf)  }
0xfe: {  	[tilespmem:s25+$0x7A70] =	vst v4;
	v7 =	vadd.f32 $1.000000000e+00, v7;
	v4 =	vpop (erf)  }
0xff: {  	[tilespmem:s25+$0x7A00] =	vst v9;
	(erf) = vrcp.f32 v2;
	v2 =	vadd.f32 $1.000000000e+00, v4  }
0x100: {  	[tilespmem:s25+$0x7A50] =	vst v8;
	(erf) = vrcp.f32 v7  }
0x101: {  	[tilespmem:s25+$0x7A20] =	vst v10;
	(erf) = vrcp.f32 v2  }
0x102: {  	[tilespmem:s13+$0x7A40] =	vst v5  }
0x103: {  	[tilespmem:s25+$0x7A30] =	vst v1  }
0x104: {  	v1 =	vpop (erf);
	[tilespmem:s13+$0x5240] =	vst v3  }
0x105: {  	[tilespmem:s13+$0x7A10] =	vst v1;
	v1 =	vpop (erf)  }
0x106: {  	v2 =	vpop (erf);
	[tilespmem:s13+$0x7A60] =	vst v1  }
0x107: {  	[tilespmem:s13+$0x7A00] =	vst v2;
	v2 =	vpop (erf)  }
0x108: {  	[tilespmem:s13+$0x7A70] =	vst v2;
	v2 =	vpop (erf)  }
0x109: {  	s6 =	sadd.s32 s10, s30;
	[tilespmem:s13+$0x7A50] =	vst v2;
	v2 =	vpop (erf)  }
0x10a: {  	s6 =	sshll.u32 s6, $0x4;
	[tilespmem:s13+$0x7A20] =	vst v2;
	v1 =	vpop (erf)  }
0x10b: {  	s6 =	sadd.s32 s5, s6;
	[tilespmem:s13+$0x7A30] =	vst v1  }
0x10c: {  	[hbm4b:s6+s8] =	stream.linear.scatter [tilespmem:s21], [sflag:$0x3], $0x1400, $0x38;
	[tilespmem:$0x1DA80] =	vst v63  }
0x10d: {  	_ = 	snop  }
0x10e: {  	[spmem:s7] =	stream.indirect.scatter.add.f32 [tilespmem:s22], [sflag:$0x7], $0x80, s12, s14, $0xb8;
	[tilespmem:$0x1DA80] =	vst v63  }
0x10f: {  	_ =	swait.ge [sflag:s11], $0x1400  }
0x110: {  	p0 =	seq.s32 s28, $0x7C;
	[sflag:s11] =	ssyncset.done $0x0  }
0x111: {  	s6 =	simm.s32 @p0 $0x3;
	[sflag:s11] =	ssyncadd.s32 $0xFFFFEC00  }
0x112: {  	_ =	swait.ge @p0 [sflag:s6], $0x1400  }
0x113: {  	[sflag:s6] =	ssyncset.done @p0 $0x0  }
0x114: {  	[sflag:s6] =	ssyncadd.s32 @p0 $0xFFFFEC00;
	s6 =	simm.s32 @p0 $0x2  }
0x115: {  	_ =	swait.ge @p0 [sflag:s6], $0x1400  }
0x116: {  	[sflag:s6] =	ssyncset.done @p0 $0x0  }
0x117: {  	[sflag:s6] =	ssyncadd.s32 @p0 $0xFFFFEC00  }
0x118: {  	s9 =	sadd.s32 @!p0 s30, s1;
	_ =	swait.ge @p0 [sflag:s6], $0x1400  }
0x119: {  	s9 =	sshrl.u32 @!p0 s9, $0x3;
	[sflag:s6] =	ssyncset.done @p0 $0x0  }
0x11a: {  	s13 =	simm.s32 @!p0 $0x0;
	[sflag:s6] =	ssyncadd.s32 @p0 $0xFFFFEC00;
	s6 =	sadd.s32 @!p0 s0, s9  }
0x11b: {  	[tilespmem:s13], [sflag:$0x5] =	stream.linear.gather @!p0 [hbm4b:s6+s13], $0x28, $0x38;
	[tilespmem:$0x1DA80] =	vst v63  }
0x11c: {  	s6 =	sadd.s32 @!p0 s2, s9;
	s9 =	simm.s32 @!p0 $0x100  }
0x11d: {  	[tilespmem:s9], [sflag:$0x5] =	stream.linear.gather @!p0 [hbm4b:s6+s13], $0x28, $0x38;
	[tilespmem:$0x1DA80] =	vst v63  }
0x11e: {  	s6 =	simm.s32 @!p0 $0x3  }
0x11f: {  	_ =	swait.ge @!p0 [sflag:s6], $0x1400  }
0x120: {  	[sflag:s6] =	ssyncset.done @!p0 $0x0  }
0x121: {  	[sflag:s6] =	ssyncadd.s32 @!p0 $0xFFFFEC00;
	s6 =	simm.s32 @!p0 $0x2  }
0x122: {  	_ =	swait.ge @!p0 [sflag:s6], $0x1400  }
0x123: {  	[sflag:s6] =	ssyncset.done @!p0 $0x0  }
0x124: {  	[sflag:s6] =	ssyncadd.s32 @!p0 $0xFFFFEC00  }
0x125: {  	_ =	swait.ge @!p0 [sflag:s6], $0x1400  }
0x126: {  	[sflag:s6] =	ssyncset.done @!p0 $0x0  }
0x127: {  	[sflag:s6] =	ssyncadd.s32 @!p0 $0xFFFFEC00;
	s6 =	simm.s32 @!p0 $0x5  }
0x128: {  	_ =	swait.ge @!p0 [sflag:s6], $0x28  }
0x129: {  	[sflag:s6] =	ssyncset.done @!p0 $0x0  }
0x12a: {  	[sflag:s6] =	ssyncadd.s32 @!p0 $0xFFFFFFD8  }
0x12b: {  	_ =	swait.ge @!p0 [sflag:s6], $0x28  }
0x12c: {  	[sflag:s6] =	ssyncset.done @!p0 $0x0  }
0x12d: {  	s25 =	simm.s32 @!p0 $0x200;
	[sflag:s6] =	ssyncadd.s32 @!p0 $0xFFFFFFD8;
	s6 =	simm.s32 @!p0 $0x28  }
0x12e: {  	[tilespmem:s25], [sflag:$0x1] =	stream.indirect.gather @!p0 [hbm4b:s3+s6], $0x80, s13, s6, $0xb8;
	[tilespmem:$0x1DA80] =	vst v63  }
0x12f: {  	s13 =	simm.s32 @!p0 $0x2A00  }
0x130: {  	[tilespmem:s13], [sflag:$0x1] =	stream.indirect.gather @!p0 [hbm4b:s4+s6], $0x80, s9, s6, $0xb8;
	[tilespmem:$0x1DA80] =	vst v63  }
0x131: {  	s9 =	simm.s32 $0x0  }
0x132: {  	v1 =	vld [tilespmem:s9+$0x3E70]  }
0x133: {  	v8 =	vld [tilespmem:s9+$0x3E10]  }
0x134: {  	v9 =	vld [tilespmem:s9+$0x1610]  }
0x135: {  	v3 =	vld [tilespmem:s9+$0x3E40]  }
0x136: {  	v4 =	vld [tilespmem:s9+$0x1640]  }
0x137: {  	v6 =	vld [tilespmem:s9+$0x3E20]  }
0x138: {  	v7 =	vld [tilespmem:s9+$0x1620]  }
0x139: {  	v8 =	vadd.f32 v8, v9;
	v9 =	vld [tilespmem:s9+$0x1670]  }
0x13a: {  	v5 =	vld [tilespmem:s9+$0x1600]  }
0x13b: {  	v10 =	vld [tilespmem:s9+$0x3E00]  }
0x13c: {  	v2 =	vld [tilespmem:s9+$0x1650]  }
0x13d: {  	v11 =	vld [tilespmem:s9+$0x3E50];
	v6 =	vadd.f32 v6, v7  }
0x13e: {  	v12 =	vld [tilespmem:s9+$0x3E60];
	v9 =	vadd.f32 v1, v9;
	v1 =	vadd.f32 v3, v4  }
0x13f: {  	v13 =	vld [tilespmem:s9+$0x1660]  }
0x140: {  	v7 =	vld [tilespmem:s9+$0x3E30];
	v5 =	vadd.f32 v10, v5;
	[tilespmem:s9+$0x6620] =	vst v6;
	v4 =	vsub.f32 $0.0e+00, v1  }
0x141: {  	s25 =	simm.s32 $0x80;
	v10 =	vld [tilespmem:s9+$0x1630];
	[tilespmem:s9+$0x6610] =	vst v8  }
0x142: {  	v14 =	vld [tilespmem:s25+$0x3E70];
	[tilespmem:s9+$0x6600] =	vst v5;
	v4 =	vmul.f32 $1.442695020e+00, v4  }
0x143: {  	v15 =	vld [tilespmem:s25+$0x1650]  }
0x144: {  	v2 =	vadd.f32 v11, v2;
	v16 =	vld [tilespmem:s25+$0x3E40];
	(erf) = vpow2.f32 v4  }
0x145: {  	v12 =	vadd.f32 v12, v13;
	v11 =	vld [tilespmem:s25+$0x1640]  }
0x146: {  	v17 =	vld [tilespmem:s25+$0x1600];
	[tilespmem:s9+$0x6650] =	vst v2;
	v4 =	vsub.f32 $0.0e+00, v8  }
0x147: {  	v5 =	vsub.f32 $0.0e+00, v5;
	v2 =	vsub.f32 $0.0e+00, v2;
	v13 =	vld [tilespmem:s25+$0x3E20];
	[tilespmem:s9+$0x6660] =	vst v12  }
0x148: {  	v12 =	vsub.f32 $0.0e+00, v12;
	v3 =	vld [tilespmem:s25+$0x1620];
	[tilespmem:s9+$0x6670] =	vst v9;
	v4 =	vmul.f32 $1.442695020e+00, v4  }
0x149: {  	v5 =	vmul.f32 $1.442695020e+00, v5;
	v2 =	vmul.f32 $1.442695020e+00, v2;
	v18 =	vld [tilespmem:s25+$0x3E10]  }
0x14a: {  	v19 =	vld [tilespmem:s25+$0x1610];
	(erf) = vpow2.f32 v4;
	v4 =	vsub.f32 $0.0e+00, v9;
	v9 =	vmul.f32 $1.442695020e+00, v12  }
0x14b: {  	v6 =	vsub.f32 $0.0e+00, v6;
	v7 =	vadd.f32 v7, v10;
	v59 =	vld [tilespmem:s25+$0x3E00];
	(erf) = vpow2.f32 v2  }
0x14c: {  	v10 =	vld [tilespmem:s25+$0x3E50];
	v2 =	vmul.f32 $1.442695020e+00, v4;
	(erf) = vpow2.f32 v9  }
0x14d: {  	v6 =	vmul.f32 $1.442695020e+00, v6;
	v60 =	vld [tilespmem:s25+$0x3E30];
	[tilespmem:s9+$0x6630] =	vst v7;
	(erf) = vpow2.f32 v5;
	v5 =	vpop (erf)  }
0x14e: {  	v3 =	vadd.f32 v13, v3;
	v8 =	vld [tilespmem:s25+$0x3E60];
	(erf) = vpow2.f32 v2;
	v5 =	vadd.f32 $1.000000000e+00, v5  }
0x14f: {  	v13 =	vadd.f32 v18, v19;
	v12 =	vld [tilespmem:s25+$0x1660];
	v2 =	vadd.f32 v16, v11;
	(erf) = vpow2.f32 v6  }
0x150: {  	[tilespmem:s25+$0x6620] =	vst v3;
	v17 =	vadd.f32 v59, v17;
	(erf) = vrcp.f32 v5;
	v5 =	vsub.f32 $0.0e+00, v7  }
0x151: {  	s13 =	simm.s32 $0x100;
	v18 =	vld [tilespmem:s25+$0x1670];
	[tilespmem:s25+$0x6610] =	vst v13;
	v9 =	vsub.f32 $0.0e+00, v2  }
0x152: {  	v4 =	vld [tilespmem:s13+$0x3E70];
	[tilespmem:s25+$0x6600] =	vst v17;
	v5 =	vmul.f32 $1.442695020e+00, v5  }
0x153: {  	v13 =	vsub.f32 $0.0e+00, v13;
	v61 =	vld [tilespmem:s13+$0x1650];
	v6 =	vadd.f32 v10, v15;
	v9 =	vmul.f32 $1.442695020e+00, v9;
	v10 =	vpop (erf)  }
0x154: {  	v62 =	vld [tilespmem:s13+$0x3E40];
	v8 =	vadd.f32 v8, v12;
	v12 =	vpop (erf);
	(erf) = vpow2.f32 v5;
	v5 =	vadd.f32 $1.000000000e+00, v10  }
0x155: {  	v13 =	vmul.f32 $1.442695020e+00, v13;
	v16 =	vld [tilespmem:s13+$0x1640]  }
0x156: {  	v7 =	vld [tilespmem:s13+$0x1600];
	[tilespmem:s25+$0x6650] =	vst v6;
	v6 =	vsub.f32 $0.0e+00, v6;
	v10 =	vpop (erf);
	(erf) = vpow2.f32 v9  }
0x157: {  	v19 =	vld [tilespmem:s25+$0x1630];
	v14 =	vadd.f32 v14, v18;
	v9 =	vpop (erf);
	v10 =	vadd.f32 $1.000000000e+00, v10;
	(erf) = vrcp.f32 v5  }
0x158: {  	v11 =	vld [tilespmem:s13+$0x3E20];
	[tilespmem:s25+$0x6660] =	vst v8;
	v6 =	vmul.f32 $1.442695020e+00, v6;
	v5 =	vpop (erf);
	(erf) = vpow2.f32 v13  }
0x159: {  	v3 =	vsub.f32 $0.0e+00, v3;
	v17 =	vsub.f32 $0.0e+00, v17;
	v15 =	vld [tilespmem:s13+$0x1620];
	[tilespmem:s25+$0x6670] =	vst v14;
	v13 =	vpop (erf);
	(erf) = vrcp.f32 v10  }
0x15a: {  	v18 =	vld [tilespmem:s13+$0x3E10];
	(erf) = vpow2.f32 v6;
	v6 =	vsub.f32 $0.0e+00, v8;
	v8 =	vadd.f32 $1.000000000e+00, v9  }
0x15b: {  	v63 =	vmul.f32 $1.442695020e+00, v3;
	v14 =	vsub.f32 $0.0e+00, v14;
	v23 =	vld [tilespmem:s13+$0x1610];
	v10 =	vpop (erf);
	v9 =	vadd.f32 $1.000000000e+00, v5  }
0x15c: {  	v24 =	vld [tilespmem:s13+$0x3E00];
	v12 =	vadd.f32 $1.000000000e+00, v12;
	[tilespmem:s9+$0x8E40] =	vst v10;
	v10 =	vmul.f32 $1.442695020e+00, v17;
	(erf) = vrcp.f32 v8  }
0x15d: {  	v17 =	vadd.f32 v60, v19;
	v6 =	vmul.f32 $1.442695020e+00, v6;
	(erf) = vrcp.f32 v9  }
0x15e: {  	v14 =	vmul.f32 $1.442695020e+00, v14;
	v19 =	vld [tilespmem:s13+$0x3E50];
	v8 =	vadd.f32 v11, v15;
	(erf) = vrcp.f32 v12  }
0x15f: {  	v11 =	vsub.f32 $0.0e+00, v17;
	v15 =	vpop (erf);
	v12 =	vadd.f32 $1.000000000e+00, v13;
	(erf) = vpow2.f32 v6  }
0x160: {  	v5 =	vld [tilespmem:s13+$0x3E30];
	[tilespmem:s25+$0x6630] =	vst v17;
	v3 =	vpop (erf);
	v13 =	vadd.f32 v18, v23;
	v15 =	vadd.f32 $1.000000000e+00, v15;
	(erf) = vpow2.f32 v10  }
0x161: {  	v9 =	vld [tilespmem:s13+$0x3E60];
	[tilespmem:s13+$0x6620] =	vst v8;
	v11 =	vmul.f32 $1.442695020e+00, v11;
	v17 =	vadd.f32 $1.000000000e+00, v3;
	v6 =	vpop (erf);
	(erf) = vpow2.f32 v14  }
0x162: {  	v3 =	vadd.f32 v62, v16;
	v10 =	vld [tilespmem:s13+$0x1670];
	[tilespmem:s9+$0x8E10] =	vst v6;
	v6 =	vsub.f32 $0.0e+00, v8;
	v16 =	vpop (erf);
	(erf) = vrcp.f32 v12  }
0x163: {  	s26 =	simm.s32 $0x600;
	v8 =	vadd.f32 v19, v61;
	[tilespmem:s13+$0x6610] =	vst v13;
	v12 =	vadd.f32 v24, v7;
	v14 =	vld [tilespmem:s13+$0x1660];
	v7 =	vpop (erf);
	(erf) = vpow2.f32 v63  }
.LBB2_7:
0x164: {  	s6 =	sshra.s32 s26, $0x2;
	p0 =	sne.s32 s26, $0x4E00;
	s26 =	sadd.s32 $0x200, s26;
	v18 =	vld [tilespmem:s13+$0x1630];
	v19 =	vsub.f32 $0.0e+00, v3;
	(erf) = vrcp.f32 v17;
	v17 =	vpop (erf);
	[tilespmem:s9+$0x6640] =	vst v1;
	v1 =	vmov v2  }
0x165: {  	v2 =	vld [tilespmem:s6+$0x3E70];
	[tilespmem:s13+$0x6600] =	vst v12;
	v12 =	vsub.f32 $0.0e+00, v12;
	v20 =	vsub.f32 $0.0e+00, v8;
	v21 =	vpop (erf);
	(erf) = vrcp.f32 v15  }
0x166: {  	v13 =	vsub.f32 $0.0e+00, v13;
	v22 =	vld [tilespmem:s6+$0x1650];
	v15 =	vmul.f32 $1.442695020e+00, v19;
	(erf) = vpow2.f32 v11;
	[tilespmem:s9+$0x8E00] =	vst v21;
	v11 =	vpop (erf)  }
0x167: {  	v16 =	vadd.f32 $1.000000000e+00, v16;
	v19 =	vld [tilespmem:s6+$0x3E40];
	v12 =	vmul.f32 $1.442695020e+00, v12;
	v20 =	vmul.f32 $1.442695020e+00, v20;
	[tilespmem:s9+$0x8E70] =	vst v11;
	v11 =	vpop (erf)  }
0x168: {  	v24 =	vmul.f32 $1.442695020e+00, v13;
	v21 =	vld [tilespmem:s6+$0x1640];
	v9 =	vadd.f32 v9, v14;
	(erf) = vpow2.f32 v15;
	v14 =	vpop (erf);
	[tilespmem:s9+$0x8E50] =	vst v11  }
0x169: {  	v4 =	vadd.f32 v4, v10;
	v23 =	vld [tilespmem:s6+$0x1600];
	[tilespmem:s13+$0x6650] =	vst v8;
	v25 =	vadd.f32 $1.000000000e+00, v14;
	v10 =	vpop (erf);
	(erf) = vrcp.f32 v16  }
0x16a: {  	v11 =	vld [tilespmem:s6+$0x3E20];
	[tilespmem:s13+$0x6660] =	vst v9;
	v9 =	vsub.f32 $0.0e+00, v9;
	(erf) = vpow2.f32 v24;
	v10 =	vadd.f32 $1.000000000e+00, v10;
	v13 =	vpop (erf)  }
0x16b: {  	v26 =	vsub.f32 $0.0e+00, v4;
	v15 =	vadd.f32 $1.000000000e+00, v17;
	v14 =	vld [tilespmem:s6+$0x1620];
	[tilespmem:s13+$0x6670] =	vst v4;
	(erf) = vrcp.f32 v25;
	v8 =	vpop (erf)  }
0x16c: {  	v27 =	vadd.f32 $1.000000000e+00, v13;
	v16 =	vld [tilespmem:s6+$0x3E10];
	v9 =	vmul.f32 $1.442695020e+00, v9;
	(erf) = vpow2.f32 v20;
	v17 =	vpop (erf);
	[tilespmem:s9+$0x8E20] =	vst v8  }
0x16d: {  	v18 =	vadd.f32 v5, v18;
	v8 =	vld [tilespmem:s6+$0x1610];
	v20 =	vadd.f32 $1.000000000e+00, v17;
	(erf) = vrcp.f32 v10;
	v5 =	vpop (erf);
	[tilespmem:s9+$0x8E60] =	vst v7  }
0x16e: {  	v24 =	vmul.f32 $1.442695020e+00, v26;
	v4 =	vmov v2;
	v7 =	vld [tilespmem:s6+$0x3E00];
	[tilespmem:s25+$0x8E40] =	vst v5;
	(erf) = vrcp.f32 v27;
	v5 =	vpop (erf)  }
0x16f: {  	v2 =	vmov v3;
	v10 =	vsub.f32 $0.0e+00, v18;
	v25 =	vld [tilespmem:s6+$0x3E50];
	v13 =	vpop (erf);
	(erf) = vrcp.f32 v15;
	[tilespmem:s9+$0x8E30] =	vst v5;
	s9 =	smov.u32 s25;
	s25 =	smov.u32 s13;
	s13 =	smov.u32 s6  }
.Ltmp2:
0x170: {  	v26 =	vmul.f32 $1.442695020e+00, v6;
	v3 =	vadd.f32 v11, v14;
	v5 =	vld [tilespmem:s13+$0x3E30];
	[tilespmem:s25+$0x6630] =	vst v18;
	(erf) = vpow2.f32 v9;
	(pc) =	sbr.rel @p0 .LBB2_7-.Ltmp2, $4  }
0x171: {  	v11 =	vmul.f32 $1.442695020e+00, v10;
	v15 =	vadd.f32 $1.000000000e+00, v13;
	v9 =	vld [tilespmem:s13+$0x3E60];
	(erf) = vpow2.f32 v12;
	v6 =	vpop (erf)  }
0x172: {  	v13 =	vadd.f32 v16, v8;
	[tilespmem:s13+$0x6620] =	vst v3;
	v10 =	vld [tilespmem:s13+$0x1670];
	v17 =	vadd.f32 $1.000000000e+00, v6;
	(erf) = vpow2.f32 v24;
	v8 =	vpop (erf)  }
0x173: {  	v6 =	vsub.f32 $0.0e+00, v3;
	v3 =	vadd.f32 v19, v21;
	v16 =	vpop (erf);
	[tilespmem:s9+$0x8E10] =	vst v8;
	(erf) = vrcp.f32 v20  }
0x174: {  	v12 =	vadd.f32 v7, v23;
	[tilespmem:s13+$0x6610] =	vst v13;
	v8 =	vadd.f32 v25, v22;
	v14 =	vld [tilespmem:s13+$0x1660];
	(erf) = vpow2.f32 v26;
	v7 =	vpop (erf)  }
0x175: {  	v18 =	vsub.f32 $0.0e+00, v3;
	v19 =	vpop (erf)  }
0x176: {  	(erf) = vrcp.f32 v17;
	v27 =	vpop (erf)  }
0x177: {  	v13 =	vsub.f32 $0.0e+00, v13;
	(erf) = vrcp.f32 v15;
	v28 =	vmul.f32 $1.442695020e+00, v18;
	v29 =	vpop (erf)  }
0x178: {  	v30 =	vadd.f32 $1.000000000e+00, v16;
	v20 =	vsub.f32 $0.0e+00, v8;
	(erf) = vpow2.f32 v11;
	v31 =	vpop (erf)  }
0x179: {  	v41 =	vsub.f32 $0.0e+00, v12;
	v13 =	vmul.f32 $1.442695020e+00, v13;
	(erf) = vpow2.f32 v28;
	v32 =	vpop (erf)  }
0x17a: {  	v4 =	vadd.f32 v4, v10;
	v15 =	vadd.f32 $1.000000000e+00, v32;
	(erf) = vrcp.f32 v30  }
0x17b: {  	v33 =	vmul.f32 $1.442695020e+00, v20;
	v9 =	vadd.f32 v9, v14;
	v34 =	vpop (erf);
	(erf) = vpow2.f32 v13  }
0x17c: {  	v42 =	vsub.f32 $0.0e+00, v4;
	v35 =	vadd.f32 $1.000000000e+00, v34;
	v36 =	vpop (erf);
	(erf) = vrcp.f32 v15  }
0x17d: {  	v38 =	vsub.f32 $0.0e+00, v9;
	v39 =	vpop (erf);
	v40 =	vadd.f32 $1.000000000e+00, v36;
	(erf) = vpow2.f32 v33  }
0x17e: {  	v37 =	vld [tilespmem:s13+$0x1630];
	[tilespmem:s9+$0x6640] =	vst v1;
	v19 =	vadd.f32 $1.000000000e+00, v19;
	v1 =	vmul.f32 $1.442695020e+00, v42;
	v21 =	vpop (erf);
	(erf) = vrcp.f32 v35  }
0x17f: {  	v15 =	vmul.f32 $1.442695020e+00, v38;
	v43 =	vpop (erf);
	(erf) = vrcp.f32 v40  }
0x180: {  	v13 =	vmul.f32 $1.442695020e+00, v41;
	v44 =	vpop (erf);
	(erf) = vrcp.f32 v19  }
0x181: {  	[tilespmem:s13+$0x6600] =	vst v12;
	v45 =	vpop (erf);
	(erf) = vpow2.f32 v15  }
0x182: {  	[tilespmem:s9+$0x8E00] =	vst v27;
	(erf) = vpow2.f32 v13;
	v47 =	vpop (erf)  }
0x183: {  	[tilespmem:s9+$0x8E70] =	vst v29;
	v5 =	vadd.f32 v5, v37;
	v46 =	vadd.f32 $1.000000000e+00, v21;
	(erf) = vpow2.f32 v1;
	v1 =	vpop (erf)  }
0x184: {  	v6 =	vmul.f32 $1.442695020e+00, v6;
	[tilespmem:s9+$0x8E50] =	vst v31;
	v48 =	vpop (erf)  }
0x185: {  	[tilespmem:s13+$0x6650] =	vst v8;
	v14 =	vsub.f32 $0.0e+00, v5;
	v13 =	vadd.f32 $1.000000000e+00, v47;
	(erf) = vrcp.f32 v46;
	v49 =	vpop (erf)  }
0x186: {  	[tilespmem:s13+$0x6670] =	vst v4;
	v10 =	vadd.f32 $1.000000000e+00, v45;
	(erf) = vpow2.f32 v6;
	v51 =	vpop (erf)  }
0x187: {  	[tilespmem:s13+$0x6660] =	vst v9;
	v50 =	vmul.f32 $1.442695020e+00, v14;
	(erf) = vrcp.f32 v13;
	v52 =	vpop (erf)  }
0x188: {  	[tilespmem:s9+$0x8E60] =	vst v7;
	(erf) = vrcp.f32 v10;
	v53 =	vpop (erf)  }
0x189: {  	[tilespmem:s9+$0x8E20] =	vst v39;
	(erf) = vpow2.f32 v50;
	v54 =	vpop (erf)  }
0x18a: {  	[tilespmem:s25+$0x8E40] =	vst v43;
	v55 =	vpop (erf)  }
0x18b: {  	[tilespmem:s9+$0x8E30] =	vst v44;
	v57 =	vpop (erf)  }
0x18c: {  	[tilespmem:s13+$0x6630] =	vst v5;
	v56 =	vadd.f32 $1.000000000e+00, v48;
	v58 =	vpop (erf)  }
0x18d: {  	[tilespmem:s25+$0x8E10] =	vst v1;
	v7 =	vadd.f32 $1.000000000e+00, v55;
	v1 =	vadd.f32 $1.000000000e+00, v58  }
0x18e: {  	(erf) = vrcp.f32 v56;
	v59 =	vadd.f32 $1.000000000e+00, v57;
	v60 =	vpop (erf)  }
0x18f: {  	(erf) = vrcp.f32 v7;
	v61 =	vpop (erf)  }
0x190: {  	[tilespmem:s25+$0x6640] =	vst v2;
	(erf) = vrcp.f32 v59;
	v62 =	vpop (erf)  }
0x191: {  	[tilespmem:s25+$0x8E60] =	vst v49;
	v2 =	vadd.f32 $1.000000000e+00, v51;
	(erf) = vrcp.f32 v1;
	v1 =	vpop (erf)  }
0x192: {  	[tilespmem:s25+$0x8E00] =	vst v52;
	v7 =	vadd.f32 $1.000000000e+00, v61;
	v63 =	vpop (erf)  }
0x193: {  	[tilespmem:s25+$0x8E70] =	vst v53;
	(erf) = vrcp.f32 v2;
	v2 =	vadd.f32 $1.000000000e+00, v63  }
0x194: {  	[tilespmem:s25+$0x8E50] =	vst v54;
	(erf) = vrcp.f32 v7  }
0x195: {  	[tilespmem:s25+$0x8E20] =	vst v60;
	(erf) = vrcp.f32 v2  }
0x196: {  	[tilespmem:s13+$0x8E40] =	vst v62  }
0x197: {  	[tilespmem:s25+$0x8E30] =	vst v1  }
0x198: {  	v1 =	vpop (erf);
	[tilespmem:s13+$0x6640] =	vst v3  }
0x199: {  	[tilespmem:s13+$0x8E10] =	vst v1;
	v1 =	vpop (erf)  }
0x19a: {  	v2 =	vpop (erf);
	[tilespmem:s13+$0x8E60] =	vst v1  }
0x19b: {  	[tilespmem:s13+$0x8E00] =	vst v2;
	v2 =	vpop (erf)  }
0x19c: {  	[tilespmem:s13+$0x8E70] =	vst v2;
	v2 =	vpop (erf)  }
0x19d: {  	[tilespmem:s13+$0x8E50] =	vst v2;
	v2 =	vpop (erf)  }
0x19e: {  	s6 =	sshll.u32 s29, $0x4;
	s28 =	sadd.s32 $0x1, s28;
	[tilespmem:s13+$0x8E20] =	vst v2;
	v1 =	vpop (erf)  }
0x19f: {  	s6 =	sadd.s32 s5, s6;
	p0 =	sne.s32 s28, $0x7D;
	[tilespmem:s13+$0x8E30] =	vst v1  }
0x1a0: {  	[hbm4b:s6+s8] =	stream.linear.scatter [tilespmem:s23], [sflag:$0x4], $0x1400, $0x38;
	[tilespmem:$0x1DA80] =	vst v63  }
.Ltmp3:
0x1a1: {  	_ = 	snop;
	(pc) =	sbr.rel @p0 .LBB2_4-.Ltmp3, $4  }
0x1a2: {  	[spmem:s7] =	stream.indirect.scatter.add.f32 [tilespmem:s24], [sflag:$0x7], $0x80, s16, s14, $0xb8;
	[tilespmem:$0x1DA80] =	vst v63  }
0x1a3: {  	_ =	swait.ge [sflag:s11], $0x1400  }
0x1a4: {  	[sflag:s11] =	ssyncset.done $0x0  }
0x1a5: {  	[sflag:s11] =	ssyncadd.s32 $0xFFFFEC00  }
0x1a6: {  	s6 =	simm.s32 $0x4  }
0x1a7: {  	_ =	swait.ge [sflag:s6], $0x1400  }
0x1a8: {  	[sflag:s6] =	ssyncset.done $0x0  }
0x1a9: {  	[sflag:s6] =	ssyncadd.s32 $0xFFFFEC00  }
0x1aa: {  	s28 =	stileid.u32;
	[bflag:$0x0] =	sbarrier.arrive $0xFFFF  }
0x1ab: {  	s6 =	sshll.u32 s28, $0x6;
	s13 =	rddreg [dreg:$0x8]  }
0x1ac: {  	s6 =	sor.u32 $0x1C07, s6;
	s25 =	rddreg [dreg:$0x14];
	s9 =	sshrl.u32 s13, $0x3  }
0x1ad: {  	[hbm:s25], [sflag:s6] =	dma.local [spmem:s9], $0x2780  }
0x1ae: {  	_ =	swait.ge [sflag:s11], $0x2780  }
0x1af: {  	s29 =	rddreg [dreg:$0x1c]  }
0x1b0: {  	s30 =	rddreg [dreg:$0x17];
	s9 =	sadd.s32 $0x1, s29  }
0x1b1: {  	p0 =	sne.s32 s9, s30  }
.Ltmp4:
0x1b2: {  	_ = 	snop;
	(pc) =	sbr.rel @p0 .LBB2_1-.Ltmp4, $3  }
0x1b3: {  	_ =	sdelay $0x1  }
0x1b4: {  	[sflag:s11] =	ssyncset.done $0x0  }
0x1b5: {  	[sflag:s11] =	ssyncadd.s32 $0xFFFFD880  }
0x1b6: {  	_ =	sfence.sel $0x180000  }
0x1b7: {  	[bflag:$0x0] =	sbarrier.arrive $0xFFFF  }
0x1b8: {  	_ =	strace $0x90000047  }
0x1b9: {  	s0 =	stileid.u32;
	[bflag:$0x2] =	sbarrier.arrive $0xFFFF  }
0x1ba: {  	p0 =	sne.s32 s0, $0x0;
	s0 =	rddreg [dreg:$0x7]  }
0x1bb: {  	s0 =	sadd.s32 @!p0 $0x100000, s0  }
0x1bc: {  	[sflag:s0] =	ssyncadd.tile.s32 @!p0 $0x1;
	_ =	shalt  }
.Lfunc_end2:
_tile_overlayer_lowered:
.L_overlay_start_2:
0x1bd: {  	(tag) =	ssettag $0x2  }
0x1be: {  	s0 =	rddreg [dreg:$0x0];
	s2 =	stileid.u32  }
0x1bf: {  	s1 =	rddreg [dreg:$0x1];
	p0 =	sne.s32 s2, $0x0  }
0x1c0: {  	s3 =	rddreg [dreg:$0x2];
	[bflag:$0x3] =	sbarrier.arrive $0xFFFF;
	s2 =	simm.s32 @!p0 $0x1C07  }
0x1c1: {  	[timem:s3], [sflag:s2] =	dma.local @!p0 [hbm:s0], s1  }
0x1c2: {  	s0 =	simm.s32 @!p0 $0x7  }
0x1c3: {  	_ =	swait.ge @!p0 [sflag:s0], s1  }
0x1c4: {  	s1 =	ssub.s32 @!p0 $0x0, s1;
	[sflag:s0] =	ssyncset.done @!p0 $0x0  }
0x1c5: {  	[sflag:s0] =	ssyncadd.s32 @!p0 s1  }
0x1c6: {  	[bflag:$0x3] =	sbarrier.arrive $0xFFFF  }
0x1c7: {  	_ =	shalt  }

</sc_bundles>
